<compile_context>
chip_gen: v7x
topology: tpu7x:2x2x1
jax: 0.10.2.dev20260603
libtpu: 0.0.44.dev20260713+nightly
codegen_flags: <defaults>
</compile_context>

<pallas_src>
import jax
import jax.numpy as jnp
from jax import lax
from jax.experimental import pallas as pl
from jax.experimental.pallas import tpu as pltpu
from jax.experimental.pallas import tpu_sc as plsc

_N = 10000
_E = 320000
_NS = 16
_L = 16
_TILE = 128
_TPW = (_E // _TILE) // _NS
_COLS = _TPW * _TILE
_COLS_LAST = _E - 15 * _COLS
_UNROLL = 8
_NCHUNK = 2


def _scan_chunks(edge_hbm, b0, b1, s0, s1, base, ccols, acc):
    bufs, sems = (b0, b1), (s0, s1)
    pltpu.async_copy(edge_hbm.at[:, pl.ds(base, ccols)],
                     b0.at[:, pl.ds(0, ccols)], s0)
    for k in range(_NCHUNK):
        nxt = k + 1
        if nxt < _NCHUNK:
            pltpu.async_copy(
                edge_hbm.at[:, pl.ds(base + nxt * ccols, ccols)],
                bufs[nxt % 2].at[:, pl.ds(0, ccols)], sems[nxt % 2])
        pltpu.make_async_copy(
            edge_hbm.at[:, pl.ds(base + k * ccols, ccols)],
            bufs[k % 2].at[:, pl.ds(0, ccols)], sems[k % 2]).wait()
        buf = bufs[k % 2]

        def step(i, a):
            off = i * (_L * _UNROLL)
            for u in range(_UNROLL):
                v = buf[1, pl.ds(off + u * _L, _L)]
                m = plsc.bitcast(v, jnp.uint32) < jnp.uint32(_N)
                a = a + plsc.all_reduce_population_count(m)
            return a

        acc = lax.fori_loop(0, ccols // (_L * _UNROLL), step, acc)
    return acc


def _sc_body(edge_hbm, alpha_hbm, out_hbm, buf0_v, buf1_v, alpha_v, part_v,
             fin_v, mat_v, acc_sh, sem0, sem1, sem_a):
    wid = lax.axis_index("s")
    zero = jnp.zeros((_L,), jnp.int32)

    @pl.when(wid == 0)
    def _prefetch_alpha():
        pltpu.async_copy(alpha_hbm, alpha_v.at[pl.ds(0, 1)], sem_a)

    @pl.when(wid < 15)
    def _main():
        part_v[...] = _scan_chunks(edge_hbm, buf0_v, buf1_v, sem0, sem1,
                                   wid * _COLS, _COLS // _NCHUNK, zero)

    @pl.when(wid == 15)
    def _tail():
        part_v[...] = _scan_chunks(edge_hbm, buf0_v, buf1_v, sem0, sem1,
                                   15 * _COLS, _COLS_LAST // _NCHUNK, zero)

    pltpu.sync_copy(part_v, acc_sh.at[pl.ds(wid * _L, _L)])
    plsc.subcore_barrier()

    @pl.when(wid == 0)
    def _finalize():
        pltpu.sync_copy(acc_sh, mat_v)

        tot_vec = mat_v[pl.ds(0, _L)]
        for w in range(1, _NS):
            tot_vec = tot_vec + mat_v[pl.ds(w * _L, _L)]
        pltpu.make_async_copy(alpha_hbm, alpha_v.at[pl.ds(0, 1)],
                              sem_a).wait()
        av = alpha_v[...]
        gate = 1.0 / (1.0 + jnp.exp(-av))
        lane = lax.iota(jnp.int32, _L)
        tr1 = tot_vec.astype(jnp.float32) * (0.5 / _N)
        fin_v[...] = jnp.where(lane == 9, tr1,
                               jnp.where(lane == 0, gate, 0.0))
        pltpu.sync_copy(fin_v, out_hbm)


_sc_call = pl.kernel(
    _sc_body,
    out_type=jax.ShapeDtypeStruct((_L,), jnp.float32),
    mesh=plsc.VectorSubcoreMesh(
        core_axis_name="c", subcore_axis_name="s", num_cores=1),
    compiler_params=pltpu.CompilerParams(
        needs_layout_passes=False, skip_device_barrier=True),
    scratch_types=[
        pltpu.VMEM((2, _COLS_LAST // _NCHUNK), jnp.int32),
        pltpu.VMEM((2, _COLS_LAST // _NCHUNK), jnp.int32),
        pltpu.VMEM((_L,), jnp.float32),
        pltpu.VMEM((_L,), jnp.int32),
        pltpu.VMEM((_L,), jnp.float32),
        pltpu.VMEM((_NS * _L,), jnp.int32),
        pltpu.VMEM_SHARED((_NS * _L,), jnp.int32),
        pltpu.SemaphoreType.DMA,
        pltpu.SemaphoreType.DMA,
        pltpu.SemaphoreType.DMA,
    ],
)


def kernel(x, edge_index, W1, b1, W2, b2, alpha):
    out16 = _sc_call(edge_index, alpha)
    tr = out16[8:10]
    gates = out16[0:1].reshape(1, 1)
    return (tr, gates)

# --- scband reference (transcript-rebuilt; emitter-appended) ---
"""Pipeline reference for scband-bfs-refine-64682207478385 (READ-ONLY COPY).

The authoritative reference and input builder live on the scoring server;
editing this copy changes nothing except your own understanding.
"""

import jax, jax.numpy as jnp
import numpy as np

N = 10000
E = 320000
D_RAW = 127
D_HID = 128
IN_CH = D_RAW + 1


def _linear_init(key, fan_in, fan_out):
    lim = 1.0 / np.sqrt(fan_in)
    kw, kb = jax.random.split(key)
    W = jax.random.uniform(kw, (fan_in, fan_out), minval=-lim, maxval=lim, dtype=jnp.float32)
    b = jax.random.uniform(kb, (fan_out,), minval=-lim, maxval=lim, dtype=jnp.float32)
    return W, b


def setup_inputs(seed: int = 0) -> dict:
    key = jax.random.key(seed)
    ks = jax.random.split(key, 5)
    x = jax.random.normal(ks[0], (N, D_RAW), dtype=jnp.float32)
    edge_index = jax.random.randint(ks[1], (2, E), 0, N, dtype=jnp.int32)
    W1, b1 = _linear_init(ks[2], IN_CH, D_HID)
    W2, b2 = _linear_init(ks[3], D_HID, D_HID)
    alpha = jnp.zeros((1,), dtype=jnp.float32)  # nn.Parameter(torch.zeros(1))
    return {"x": x, "edge_index": edge_index, "W1": W1, "b1": b1, "W2": W2, "b2": b2, "alpha": alpha}


def reference(x, edge_index, W1, b1, W2, b2, alpha):
    n = x.shape[0]
    src = edge_index[0]
    dst = edge_index[1]
    # initial colouring: all zeros; appended as extra float channel
    col = jnp.zeros((n,), dtype=jnp.int32)
    x0 = jnp.concatenate([x, col.astype(jnp.float32)[:, None]], axis=1)  # [N, IN_CH]
    # --- GatedGINLayer: GINConv(eps=0) with MLP = Linear->ReLU->Linear, gated by sigmoid(alpha) ---
    gate = jax.nn.sigmoid(alpha)  # shape (1,)
    agg = jax.ops.segment_sum(x0[src], dst, num_segments=n)  # sum aggregation over in-neighbours
    h = x0 + agg  # (1 + eps) * x + aggr, eps = 0
    h = jnp.maximum(h @ W1 + b1, 0.0)
    h = h @ W2 + b2
    y = gate * h
    gates = jnp.stack([gate])  # torch.stack(gates) -> [k_layers, 1]
    # --- splitter: col is all zeros -> cid = 0, w = 0, verts = all nodes ---
    cid = col[0]
    mask = col == cid
    # add_channel (x_new is unused downstream when k_layers == 1; computed for fidelity)
    x_new = jnp.concatenate([y, mask.astype(jnp.float32)[:, None]], axis=1)
    col_new = jnp.where(mask, col.max() + 1, col)  # all ones
    C = 2  # col_new.max() + 1
    # signature: adj_t @ one_hot(colors) == scatter-add of src one-hots onto dst
    oh = jax.nn.one_hot(col_new, C, dtype=jnp.float32)
    counts = jax.ops.segment_sum(oh[src], dst, num_segments=n)
    sig = counts  # counts[verts] with verts == all nodes
    # TracePool: mean over dim 0; trace accumulator initialised to zeros (see notes re: dim)
    trace0 = jnp.zeros((C,), dtype=jnp.float32)
    tr = (trace0 + sig.mean(axis=0)) / 2.0
    return (tr, gates)

if __name__ == "__main__":
    import jax
    _d = setup_inputs()
    print(jax.jit(kernel)(*tuple(_d.values())))

</pallas_src>

<mosaic_0001>
#map = affine_map<(d0, d1) -> (0, 0)>
#map1 = affine_map<(d0, d1) -> (0)>
module attributes {stable_mosaic.version = 14 : i64} {
  func.func @_sc_body(%arg0: i32, %arg1: i32, %arg2: memref<2x320000xi32, #tpu.memory_space<hbm>>, %arg3: memref<1xf32, #tpu.memory_space<hbm>>, %arg4: memref<16xf32, #tpu.memory_space<hbm>>, %arg5: memref<2x10240xi32, #tpu.memory_space<vmem>>, %arg6: memref<2x10240xi32, #tpu.memory_space<vmem>>, %arg7: memref<16xf32, #tpu.memory_space<vmem>>, %arg8: memref<16xi32, #tpu.memory_space<vmem>>, %arg9: memref<16xf32, #tpu.memory_space<vmem>>, %arg10: memref<256xi32, #tpu.memory_space<vmem>>, %arg11: memref<256xi32, #tpu.memory_space<vmem_shared>>, %arg12: memref<!tpu.dma_semaphore, #tpu.memory_space<semaphore_mem>>, %arg13: memref<!tpu.dma_semaphore, #tpu.memory_space<semaphore_mem>>, %arg14: memref<!tpu.dma_semaphore, #tpu.memory_space<semaphore_mem>>) attributes {dimension_semantics = [#tpu.dimension_semantics<core_parallel>, #tpu.dimension_semantics<subcore_parallel>], iteration_bounds = array<i64: 1, 16>, scalar_prefetch = 0 : i64, scratch_operands = 10 : i64, tpu.core_type = #tpu.core_type<sc_vector_subcore>, window_params = [{transform_indices = #map}, {transform_indices = #map1}, {transform_indices = #map1}]} {
    %broadcast_in_dim3A = arith.constant 0 : i32
    %broadcast_in_dim3A_0 = vector.broadcast %broadcast_in_dim3A : i32 to vector<16xi32>
    %eq3A = arith.constant 0 : i32
    %eq3A_1 = arith.cmpi eq, %arg1, %eq3A : i32
    %convert_element_type3A = arith.extui %eq3A_1 : i1 to i32
    %cond3A = arith.constant 0 : i32
    %cond3A_2 = arith.cmpi ne, %convert_element_type3A, %cond3A : i32
    scf.if %cond3A_2 {
      %dma_start3A = arith.constant 0 : i32
      %dma_start3A_18 = tpu.memref_slice %arg7[%dma_start3A] : memref<16xf32, #tpu.memory_space<vmem>> -> memref<1xf32, #tpu.memory_space<vmem>>
      %dma_start3A_19 = arith.constant 0 : i32
      %dma_start3A_20 = tpu.memref_slice %arg7[%dma_start3A_19] : memref<16xf32, #tpu.memory_space<vmem>> -> memref<1xf32, #tpu.memory_space<vmem>>
      tpu.enqueue_dma source(%arg3 : memref<1xf32, #tpu.memory_space<hbm>>) target(%dma_start3A_20 : memref<1xf32, #tpu.memory_space<vmem>>) target_semaphore(%arg14 : memref<!tpu.dma_semaphore, #tpu.memory_space<semaphore_mem>>)
    } else {
    }
    %lt3A = arith.constant 15 : i32
    %lt3A_3 = arith.cmpi slt, %arg1, %lt3A : i32
    %convert_element_type3A_4 = arith.extui %lt3A_3 : i1 to i32
    %cond3A_5 = arith.constant 0 : i32
    %cond3A_6 = arith.cmpi ne, %convert_element_type3A_4, %cond3A_5 : i32
    scf.if %cond3A_6 {
      %mul3A_18 = arith.constant 19968 : i32
      %mul3A_19 = arith.muli %arg1, %mul3A_18 : i32
      %dma_start3A = arith.constant 0 : i32
      %dma_start3A_20 = arith.constant 0 : i32
      %dma_start3A_21 = tpu.memref_slice %arg5[%dma_start3A, %dma_start3A_20] : memref<2x10240xi32, #tpu.memory_space<vmem>> -> memref<2x9984xi32, #tpu.memory_space<vmem>>
      %dma_start3A_22 = arith.constant 0 : i32
      %dma_start3A_23 = tpu.memref_slice %arg2[%dma_start3A_22, %mul3A_19] : memref<2x320000xi32, #tpu.memory_space<hbm>> -> memref<2x9984xi32, #tpu.memory_space<hbm>>
      %dma_start3A_24 = arith.constant 0 : i32
      %dma_start3A_25 = arith.constant 0 : i32
      %dma_start3A_26 = tpu.memref_slice %arg5[%dma_start3A_24, %dma_start3A_25] : memref<2x10240xi32, #tpu.memory_space<vmem>> -> memref<2x9984xi32, #tpu.memory_space<vmem>>
      %dma_start3A_27 = arith.constant 0 : i32
      %dma_start3A_28 = tpu.memref_slice %arg2[%dma_start3A_27, %mul3A_19] : memref<2x320000xi32, #tpu.memory_space<hbm>> -> memref<2x9984xi32, #tpu.memory_space<hbm>>
      tpu.enqueue_dma source(%dma_start3A_28 : memref<2x9984xi32, #tpu.memory_space<hbm>>) target(%dma_start3A_26 : memref<2x9984xi32, #tpu.memory_space<vmem>>) target_semaphore(%arg12 : memref<!tpu.dma_semaphore, #tpu.memory_space<semaphore_mem>>)
      %add3A = arith.constant 9984 : i32
      %add3A_29 = arith.addi %mul3A_19, %add3A : i32
      %dma_start3A_30 = arith.constant 0 : i32
      %dma_start3A_31 = arith.constant 0 : i32
      %dma_start3A_32 = tpu.memref_slice %arg6[%dma_start3A_30, %dma_start3A_31] : memref<2x10240xi32, #tpu.memory_space<vmem>> -> memref<2x9984xi32, #tpu.memory_space<vmem>>
      %dma_start3A_33 = arith.constant 0 : i32
      %dma_start3A_34 = tpu.memref_slice %arg2[%dma_start3A_33, %add3A_29] : memref<2x320000xi32, #tpu.memory_space<hbm>> -> memref<2x9984xi32, #tpu.memory_space<hbm>>
      %dma_start3A_35 = arith.constant 0 : i32
      %dma_start3A_36 = arith.constant 0 : i32
      %dma_start3A_37 = tpu.memref_slice %arg6[%dma_start3A_35, %dma_start3A_36] : memref<2x10240xi32, #tpu.memory_space<vmem>> -> memref<2x9984xi32, #tpu.memory_space<vmem>>
      %dma_start3A_38 = arith.constant 0 : i32
      %dma_start3A_39 = tpu.memref_slice %arg2[%dma_start3A_38, %add3A_29] : memref<2x320000xi32, #tpu.memory_space<hbm>> -> memref<2x9984xi32, #tpu.memory_space<hbm>>
      tpu.enqueue_dma source(%dma_start3A_39 : memref<2x9984xi32, #tpu.memory_space<hbm>>) target(%dma_start3A_37 : memref<2x9984xi32, #tpu.memory_space<vmem>>) target_semaphore(%arg13 : memref<!tpu.dma_semaphore, #tpu.memory_space<semaphore_mem>>)
      %add3A_40 = arith.constant 0 : i32
      %add3A_41 = arith.addi %mul3A_19, %add3A_40 : i32
      %dma_wait3A = arith.constant 0 : i32
      %dma_wait3A_42 = arith.constant 0 : i32
      %dma_wait3A_43 = tpu.memref_slice %arg5[%dma_wait3A, %dma_wait3A_42] : memref<2x10240xi32, #tpu.memory_space<vmem>> -> memref<2x9984xi32, #tpu.memory_space<vmem>>
      %dma_wait3A_44 = arith.constant 0 : i32
      %dma_wait3A_45 = tpu.memref_slice %arg2[%dma_wait3A_44, %add3A_41] : memref<2x320000xi32, #tpu.memory_space<hbm>> -> memref<2x9984xi32, #tpu.memory_space<hbm>>
      %dma_wait3A_46 = arith.constant 0 : i32
      %dma_wait3A_47 = arith.constant 0 : i32
      %dma_wait3A_48 = tpu.memref_slice %arg5[%dma_wait3A_46, %dma_wait3A_47] : memref<2x10240xi32, #tpu.memory_space<vmem>> -> memref<2x9984xi32, #tpu.memory_space<vmem>>
      %dma_wait3A_49 = arith.constant 0 : i32
      %dma_wait3A_50 = tpu.memref_slice %arg2[%dma_wait3A_49, %add3A_41] : memref<2x320000xi32, #tpu.memory_space<hbm>> -> memref<2x9984xi32, #tpu.memory_space<hbm>>
      tpu.wait_dma2 semaphore(%arg12 : memref<!tpu.dma_semaphore, #tpu.memory_space<semaphore_mem>>) src(%dma_wait3A_50 : memref<2x9984xi32, #tpu.memory_space<hbm>>) dst(%dma_wait3A_48 : memref<2x9984xi32, #tpu.memory_space<vmem>>)
      %scan3A = arith.constant 0 : i32
      %scan3A_51 = arith.constant 78 : i32
      %scan3A_52 = arith.addi %scan3A, %scan3A_51 : i32
      %scan3A_53 = arith.constant 1 : i32
      %scan3A_54 = scf.for %scan3A_75 = %scan3A to %scan3A_52 step %scan3A_53 iter_args(%scan3A_76 = %broadcast_in_dim3A_0) -> (vector<16xi32>)  : i32 {
        %mul3A_77 = arith.constant 128 : i32
        %mul3A_78 = arith.muli %scan3A_75, %mul3A_77 : i32
        %add3A_79 = arith.constant 0 : i32
        %add3A_80 = arith.addi %mul3A_78, %add3A_79 : i32
        %get3A = arith.constant 1 : i32
        %get3A_81 = arith.index_cast %get3A : i32 to index
        %get3A_82 = arith.index_cast %add3A_80 : i32 to index
        %get3A_83 = tpu.vector_load %arg5[%get3A_81, %get3A_82] {strides = array<i32>} : memref<2x10240xi32, #tpu.memory_space<vmem>>, vector<16xi32>,
        %bitcast3A = vector.bitcast %get3A_83 : vector<16xi32> to vector<16xi32>
        %lt3A_84 = arith.constant 10000 : i32
        %lt3A_85 = vector.broadcast %lt3A_84 : i32 to vector<16xi32>
        %lt3A_86 = arith.cmpi ult, %bitcast3A, %lt3A_85 : vector<16xi32>
        %all_reduce_population_count3A = tpu.all_reduce %lt3A_86 {dim = 0 : i64, kind = #tpu.reduction_kind<sum>} : vector<16xi1> -> vector<16xi32>
        %add3A_87 = arith.addi %scan3A_76, %all_reduce_population_count3A : vector<16xi32>
        %add3A_88 = arith.constant 16 : i32
        %add3A_89 = arith.addi %mul3A_78, %add3A_88 : i32
        %get3A_90 = arith.constant 1 : i32
        %get3A_91 = arith.index_cast %get3A_90 : i32 to index
        %get3A_92 = arith.index_cast %add3A_89 : i32 to index
        %get3A_93 = tpu.vector_load %arg5[%get3A_91, %get3A_92] {strides = array<i32>} : memref<2x10240xi32, #tpu.memory_space<vmem>>, vector<16xi32>,
        %bitcast3A_94 = vector.bitcast %get3A_93 : vector<16xi32> to vector<16xi32>
        %lt3A_95 = arith.constant 10000 : i32
        %lt3A_96 = vector.broadcast %lt3A_95 : i32 to vector<16xi32>
        %lt3A_97 = arith.cmpi ult, %bitcast3A_94, %lt3A_96 : vector<16xi32>
        %all_reduce_population_count3A_98 = tpu.all_reduce %lt3A_97 {dim = 0 : i64, kind = #tpu.reduction_kind<sum>} : vector<16xi1> -> vector<16xi32>
        %add3A_99 = arith.addi %add3A_87, %all_reduce_population_count3A_98 : vector<16xi32>
        %add3A_100 = arith.constant 32 : i32
        %add3A_101 = arith.addi %mul3A_78, %add3A_100 : i32
        %get3A_102 = arith.constant 1 : i32
        %get3A_103 = arith.index_cast %get3A_102 : i32 to index
        %get3A_104 = arith.index_cast %add3A_101 : i32 to index
        %get3A_105 = tpu.vector_load %arg5[%get3A_103, %get3A_104] {strides = array<i32>} : memref<2x10240xi32, #tpu.memory_space<vmem>>, vector<16xi32>,
        %bitcast3A_106 = vector.bitcast %get3A_105 : vector<16xi32> to vector<16xi32>
        %lt3A_107 = arith.constant 10000 : i32
        %lt3A_108 = vector.broadcast %lt3A_107 : i32 to vector<16xi32>
        %lt3A_109 = arith.cmpi ult, %bitcast3A_106, %lt3A_108 : vector<16xi32>
        %all_reduce_population_count3A_110 = tpu.all_reduce %lt3A_109 {dim = 0 : i64, kind = #tpu.reduction_kind<sum>} : vector<16xi1> -> vector<16xi32>
        %add3A_111 = arith.addi %add3A_99, %all_reduce_population_count3A_110 : vector<16xi32>
        %add3A_112 = arith.constant 48 : i32
        %add3A_113 = arith.addi %mul3A_78, %add3A_112 : i32
        %get3A_114 = arith.constant 1 : i32
        %get3A_115 = arith.index_cast %get3A_114 : i32 to index
        %get3A_116 = arith.index_cast %add3A_113 : i32 to index
        %get3A_117 = tpu.vector_load %arg5[%get3A_115, %get3A_116] {strides = array<i32>} : memref<2x10240xi32, #tpu.memory_space<vmem>>, vector<16xi32>,
        %bitcast3A_118 = vector.bitcast %get3A_117 : vector<16xi32> to vector<16xi32>
        %lt3A_119 = arith.constant 10000 : i32
        %lt3A_120 = vector.broadcast %lt3A_119 : i32 to vector<16xi32>
        %lt3A_121 = arith.cmpi ult, %bitcast3A_118, %lt3A_120 : vector<16xi32>
        %all_reduce_population_count3A_122 = tpu.all_reduce %lt3A_121 {dim = 0 : i64, kind = #tpu.reduction_kind<sum>} : vector<16xi1> -> vector<16xi32>
        %add3A_123 = arith.addi %add3A_111, %all_reduce_population_count3A_122 : vector<16xi32>
        %add3A_124 = arith.constant 64 : i32
        %add3A_125 = arith.addi %mul3A_78, %add3A_124 : i32
        %get3A_126 = arith.constant 1 : i32
        %get3A_127 = arith.index_cast %get3A_126 : i32 to index
        %get3A_128 = arith.index_cast %add3A_125 : i32 to index
        %get3A_129 = tpu.vector_load %arg5[%get3A_127, %get3A_128] {strides = array<i32>} : memref<2x10240xi32, #tpu.memory_space<vmem>>, vector<16xi32>,
        %bitcast3A_130 = vector.bitcast %get3A_129 : vector<16xi32> to vector<16xi32>
        %lt3A_131 = arith.constant 10000 : i32
        %lt3A_132 = vector.broadcast %lt3A_131 : i32 to vector<16xi32>
        %lt3A_133 = arith.cmpi ult, %bitcast3A_130, %lt3A_132 : vector<16xi32>
        %all_reduce_population_count3A_134 = tpu.all_reduce %lt3A_133 {dim = 0 : i64, kind = #tpu.reduction_kind<sum>} : vector<16xi1> -> vector<16xi32>
        %add3A_135 = arith.addi %add3A_123, %all_reduce_population_count3A_134 : vector<16xi32>
        %add3A_136 = arith.constant 80 : i32
        %add3A_137 = arith.addi %mul3A_78, %add3A_136 : i32
        %get3A_138 = arith.constant 1 : i32
        %get3A_139 = arith.index_cast %get3A_138 : i32 to index
        %get3A_140 = arith.index_cast %add3A_137 : i32 to index
        %get3A_141 = tpu.vector_load %arg5[%get3A_139, %get3A_140] {strides = array<i32>} : memref<2x10240xi32, #tpu.memory_space<vmem>>, vector<16xi32>,
        %bitcast3A_142 = vector.bitcast %get3A_141 : vector<16xi32> to vector<16xi32>
        %lt3A_143 = arith.constant 10000 : i32
        %lt3A_144 = vector.broadcast %lt3A_143 : i32 to vector<16xi32>
        %lt3A_145 = arith.cmpi ult, %bitcast3A_142, %lt3A_144 : vector<16xi32>
        %all_reduce_population_count3A_146 = tpu.all_reduce %lt3A_145 {dim = 0 : i64, kind = #tpu.reduction_kind<sum>} : vector<16xi1> -> vector<16xi32>
        %add3A_147 = arith.addi %add3A_135, %all_reduce_population_count3A_146 : vector<16xi32>
        %add3A_148 = arith.constant 96 : i32
        %add3A_149 = arith.addi %mul3A_78, %add3A_148 : i32
        %get3A_150 = arith.constant 1 : i32
        %get3A_151 = arith.index_cast %get3A_150 : i32 to index
        %get3A_152 = arith.index_cast %add3A_149 : i32 to index
        %get3A_153 = tpu.vector_load %arg5[%get3A_151, %get3A_152] {strides = array<i32>} : memref<2x10240xi32, #tpu.memory_space<vmem>>, vector<16xi32>,
        %bitcast3A_154 = vector.bitcast %get3A_153 : vector<16xi32> to vector<16xi32>
        %lt3A_155 = arith.constant 10000 : i32
        %lt3A_156 = vector.broadcast %lt3A_155 : i32 to vector<16xi32>
        %lt3A_157 = arith.cmpi ult, %bitcast3A_154, %lt3A_156 : vector<16xi32>
        %all_reduce_population_count3A_158 = tpu.all_reduce %lt3A_157 {dim = 0 : i64, kind = #tpu.reduction_kind<sum>} : vector<16xi1> -> vector<16xi32>
        %add3A_159 = arith.addi %add3A_147, %all_reduce_population_count3A_158 : vector<16xi32>
        %add3A_160 = arith.constant 112 : i32
        %add3A_161 = arith.addi %mul3A_78, %add3A_160 : i32
        %get3A_162 = arith.constant 1 : i32
        %get3A_163 = arith.index_cast %get3A_162 : i32 to index
        %get3A_164 = arith.index_cast %add3A_161 : i32 to index
        %get3A_165 = tpu.vector_load %arg5[%get3A_163, %get3A_164] {strides = array<i32>} : memref<2x10240xi32, #tpu.memory_space<vmem>>, vector<16xi32>,
        %bitcast3A_166 = vector.bitcast %get3A_165 : vector<16xi32> to vector<16xi32>
        %lt3A_167 = arith.constant 10000 : i32
        %lt3A_168 = vector.broadcast %lt3A_167 : i32 to vector<16xi32>
        %lt3A_169 = arith.cmpi ult, %bitcast3A_166, %lt3A_168 : vector<16xi32>
        %all_reduce_population_count3A_170 = tpu.all_reduce %lt3A_169 {dim = 0 : i64, kind = #tpu.reduction_kind<sum>} : vector<16xi1> -> vector<16xi32>
        %add3A_171 = arith.addi %add3A_159, %all_reduce_population_count3A_170 : vector<16xi32>
        scf.yield %add3A_171 : vector<16xi32>
      }
      %scan3A_55 = arith.constant 78 : i32
      %add3A_56 = arith.constant 9984 : i32
      %add3A_57 = arith.addi %mul3A_19, %add3A_56 : i32
      %dma_wait3A_58 = arith.constant 0 : i32
      %dma_wait3A_59 = arith.constant 0 : i32
      %dma_wait3A_60 = tpu.memref_slice %arg6[%dma_wait3A_58, %dma_wait3A_59] : memref<2x10240xi32, #tpu.memory_space<vmem>> -> memref<2x9984xi32, #tpu.memory_space<vmem>>
      %dma_wait3A_61 = arith.constant 0 : i32
      %dma_wait3A_62 = tpu.memref_slice %arg2[%dma_wait3A_61, %add3A_57] : memref<2x320000xi32, #tpu.memory_space<hbm>> -> memref<2x9984xi32, #tpu.memory_space<hbm>>
      %dma_wait3A_63 = arith.constant 0 : i32
      %dma_wait3A_64 = arith.constant 0 : i32
      %dma_wait3A_65 = tpu.memref_slice %arg6[%dma_wait3A_63, %dma_wait3A_64] : memref<2x10240xi32, #tpu.memory_space<vmem>> -> memref<2x9984xi32, #tpu.memory_space<vmem>>
      %dma_wait3A_66 = arith.constant 0 : i32
      %dma_wait3A_67 = tpu.memref_slice %arg2[%dma_wait3A_66, %add3A_57] : memref<2x320000xi32, #tpu.memory_space<hbm>> -> memref<2x9984xi32, #tpu.memory_space<hbm>>
      tpu.wait_dma2 semaphore(%arg13 : memref<!tpu.dma_semaphore, #tpu.memory_space<semaphore_mem>>) src(%dma_wait3A_67 : memref<2x9984xi32, #tpu.memory_space<hbm>>) dst(%dma_wait3A_65 : memref<2x9984xi32, #tpu.memory_space<vmem>>)
      %scan3A_68 = arith.constant 0 : i32
      %scan3A_69 = arith.constant 78 : i32
      %scan3A_70 = arith.addi %scan3A_68, %scan3A_69 : i32
      %scan3A_71 = arith.constant 1 : i32
      %scan3A_72 = scf.for %scan3A_75 = %scan3A_68 to %scan3A_70 step %scan3A_71 iter_args(%scan3A_76 = %scan3A_54) -> (vector<16xi32>)  : i32 {
        %mul3A_77 = arith.constant 128 : i32
        %mul3A_78 = arith.muli %scan3A_75, %mul3A_77 : i32
        %add3A_79 = arith.constant 0 : i32
        %add3A_80 = arith.addi %mul3A_78, %add3A_79 : i32
        %get3A = arith.constant 1 : i32
        %get3A_81 = arith.index_cast %get3A : i32 to index
        %get3A_82 = arith.index_cast %add3A_80 : i32 to index
        %get3A_83 = tpu.vector_load %arg6[%get3A_81, %get3A_82] {strides = array<i32>} : memref<2x10240xi32, #tpu.memory_space<vmem>>, vector<16xi32>,
        %bitcast3A = vector.bitcast %get3A_83 : vector<16xi32> to vector<16xi32>
        %lt3A_84 = arith.constant 10000 : i32
        %lt3A_85 = vector.broadcast %lt3A_84 : i32 to vector<16xi32>
        %lt3A_86 = arith.cmpi ult, %bitcast3A, %lt3A_85 : vector<16xi32>
        %all_reduce_population_count3A = tpu.all_reduce %lt3A_86 {dim = 0 : i64, kind = #tpu.reduction_kind<sum>} : vector<16xi1> -> vector<16xi32>
        %add3A_87 = arith.addi %scan3A_76, %all_reduce_population_count3A : vector<16xi32>
        %add3A_88 = arith.constant 16 : i32
        %add3A_89 = arith.addi %mul3A_78, %add3A_88 : i32
        %get3A_90 = arith.constant 1 : i32
        %get3A_91 = arith.index_cast %get3A_90 : i32 to index
        %get3A_92 = arith.index_cast %add3A_89 : i32 to index
        %get3A_93 = tpu.vector_load %arg6[%get3A_91, %get3A_92] {strides = array<i32>} : memref<2x10240xi32, #tpu.memory_space<vmem>>, vector<16xi32>,
        %bitcast3A_94 = vector.bitcast %get3A_93 : vector<16xi32> to vector<16xi32>
        %lt3A_95 = arith.constant 10000 : i32
        %lt3A_96 = vector.broadcast %lt3A_95 : i32 to vector<16xi32>
        %lt3A_97 = arith.cmpi ult, %bitcast3A_94, %lt3A_96 : vector<16xi32>
        %all_reduce_population_count3A_98 = tpu.all_reduce %lt3A_97 {dim = 0 : i64, kind = #tpu.reduction_kind<sum>} : vector<16xi1> -> vector<16xi32>
        %add3A_99 = arith.addi %add3A_87, %all_reduce_population_count3A_98 : vector<16xi32>
        %add3A_100 = arith.constant 32 : i32
        %add3A_101 = arith.addi %mul3A_78, %add3A_100 : i32
        %get3A_102 = arith.constant 1 : i32
        %get3A_103 = arith.index_cast %get3A_102 : i32 to index
        %get3A_104 = arith.index_cast %add3A_101 : i32 to index
        %get3A_105 = tpu.vector_load %arg6[%get3A_103, %get3A_104] {strides = array<i32>} : memref<2x10240xi32, #tpu.memory_space<vmem>>, vector<16xi32>,
        %bitcast3A_106 = vector.bitcast %get3A_105 : vector<16xi32> to vector<16xi32>
        %lt3A_107 = arith.constant 10000 : i32
        %lt3A_108 = vector.broadcast %lt3A_107 : i32 to vector<16xi32>
        %lt3A_109 = arith.cmpi ult, %bitcast3A_106, %lt3A_108 : vector<16xi32>
        %all_reduce_population_count3A_110 = tpu.all_reduce %lt3A_109 {dim = 0 : i64, kind = #tpu.reduction_kind<sum>} : vector<16xi1> -> vector<16xi32>
        %add3A_111 = arith.addi %add3A_99, %all_reduce_population_count3A_110 : vector<16xi32>
        %add3A_112 = arith.constant 48 : i32
        %add3A_113 = arith.addi %mul3A_78, %add3A_112 : i32
        %get3A_114 = arith.constant 1 : i32
        %get3A_115 = arith.index_cast %get3A_114 : i32 to index
        %get3A_116 = arith.index_cast %add3A_113 : i32 to index
        %get3A_117 = tpu.vector_load %arg6[%get3A_115, %get3A_116] {strides = array<i32>} : memref<2x10240xi32, #tpu.memory_space<vmem>>, vector<16xi32>,
        %bitcast3A_118 = vector.bitcast %get3A_117 : vector<16xi32> to vector<16xi32>
        %lt3A_119 = arith.constant 10000 : i32
        %lt3A_120 = vector.broadcast %lt3A_119 : i32 to vector<16xi32>
        %lt3A_121 = arith.cmpi ult, %bitcast3A_118, %lt3A_120 : vector<16xi32>
        %all_reduce_population_count3A_122 = tpu.all_reduce %lt3A_121 {dim = 0 : i64, kind = #tpu.reduction_kind<sum>} : vector<16xi1> -> vector<16xi32>
        %add3A_123 = arith.addi %add3A_111, %all_reduce_population_count3A_122 : vector<16xi32>
        %add3A_124 = arith.constant 64 : i32
        %add3A_125 = arith.addi %mul3A_78, %add3A_124 : i32
        %get3A_126 = arith.constant 1 : i32
        %get3A_127 = arith.index_cast %get3A_126 : i32 to index
        %get3A_128 = arith.index_cast %add3A_125 : i32 to index
        %get3A_129 = tpu.vector_load %arg6[%get3A_127, %get3A_128] {strides = array<i32>} : memref<2x10240xi32, #tpu.memory_space<vmem>>, vector<16xi32>,
        %bitcast3A_130 = vector.bitcast %get3A_129 : vector<16xi32> to vector<16xi32>
        %lt3A_131 = arith.constant 10000 : i32
        %lt3A_132 = vector.broadcast %lt3A_131 : i32 to vector<16xi32>
        %lt3A_133 = arith.cmpi ult, %bitcast3A_130, %lt3A_132 : vector<16xi32>
        %all_reduce_population_count3A_134 = tpu.all_reduce %lt3A_133 {dim = 0 : i64, kind = #tpu.reduction_kind<sum>} : vector<16xi1> -> vector<16xi32>
        %add3A_135 = arith.addi %add3A_123, %all_reduce_population_count3A_134 : vector<16xi32>
        %add3A_136 = arith.constant 80 : i32
        %add3A_137 = arith.addi %mul3A_78, %add3A_136 : i32
        %get3A_138 = arith.constant 1 : i32
        %get3A_139 = arith.index_cast %get3A_138 : i32 to index
        %get3A_140 = arith.index_cast %add3A_137 : i32 to index
        %get3A_141 = tpu.vector_load %arg6[%get3A_139, %get3A_140] {strides = array<i32>} : memref<2x10240xi32, #tpu.memory_space<vmem>>, vector<16xi32>,
        %bitcast3A_142 = vector.bitcast %get3A_141 : vector<16xi32> to vector<16xi32>
        %lt3A_143 = arith.constant 10000 : i32
        %lt3A_144 = vector.broadcast %lt3A_143 : i32 to vector<16xi32>
        %lt3A_145 = arith.cmpi ult, %bitcast3A_142, %lt3A_144 : vector<16xi32>
        %all_reduce_population_count3A_146 = tpu.all_reduce %lt3A_145 {dim = 0 : i64, kind = #tpu.reduction_kind<sum>} : vector<16xi1> -> vector<16xi32>
        %add3A_147 = arith.addi %add3A_135, %all_reduce_population_count3A_146 : vector<16xi32>
        %add3A_148 = arith.constant 96 : i32
        %add3A_149 = arith.addi %mul3A_78, %add3A_148 : i32
        %get3A_150 = arith.constant 1 : i32
        %get3A_151 = arith.index_cast %get3A_150 : i32 to index
        %get3A_152 = arith.index_cast %add3A_149 : i32 to index
        %get3A_153 = tpu.vector_load %arg6[%get3A_151, %get3A_152] {strides = array<i32>} : memref<2x10240xi32, #tpu.memory_space<vmem>>, vector<16xi32>,
        %bitcast3A_154 = vector.bitcast %get3A_153 : vector<16xi32> to vector<16xi32>
        %lt3A_155 = arith.constant 10000 : i32
        %lt3A_156 = vector.broadcast %lt3A_155 : i32 to vector<16xi32>
        %lt3A_157 = arith.cmpi ult, %bitcast3A_154, %lt3A_156 : vector<16xi32>
        %all_reduce_population_count3A_158 = tpu.all_reduce %lt3A_157 {dim = 0 : i64, kind = #tpu.reduction_kind<sum>} : vector<16xi1> -> vector<16xi32>
        %add3A_159 = arith.addi %add3A_147, %all_reduce_population_count3A_158 : vector<16xi32>
        %add3A_160 = arith.constant 112 : i32
        %add3A_161 = arith.addi %mul3A_78, %add3A_160 : i32
        %get3A_162 = arith.constant 1 : i32
        %get3A_163 = arith.index_cast %get3A_162 : i32 to index
        %get3A_164 = arith.index_cast %add3A_161 : i32 to index
        %get3A_165 = tpu.vector_load %arg6[%get3A_163, %get3A_164] {strides = array<i32>} : memref<2x10240xi32, #tpu.memory_space<vmem>>, vector<16xi32>,
        %bitcast3A_166 = vector.bitcast %get3A_165 : vector<16xi32> to vector<16xi32>
        %lt3A_167 = arith.constant 10000 : i32
        %lt3A_168 = vector.broadcast %lt3A_167 : i32 to vector<16xi32>
        %lt3A_169 = arith.cmpi ult, %bitcast3A_166, %lt3A_168 : vector<16xi32>
        %all_reduce_population_count3A_170 = tpu.all_reduce %lt3A_169 {dim = 0 : i64, kind = #tpu.reduction_kind<sum>} : vector<16xi1> -> vector<16xi32>
        %add3A_171 = arith.addi %add3A_159, %all_reduce_population_count3A_170 : vector<16xi32>
        scf.yield %add3A_171 : vector<16xi32>
      }
      %scan3A_73 = arith.constant 78 : i32
      %swap3A = arith.constant 0 : index
      %swap3A_74 = tpu.vector_load %arg8[%swap3A] {strides = array<i32>} : memref<16xi32, #tpu.memory_space<vmem>>, vector<16xi32>,
      tpu.vector_store %arg8[%swap3A], %scan3A_72 {strides = array<i32>} : memref<16xi32, #tpu.memory_space<vmem>>, vector<16xi32>,
    } else {
    }
    %eq3A_7 = arith.constant 15 : i32
    %eq3A_8 = arith.cmpi eq, %arg1, %eq3A_7 : i32
    %convert_element_type3A_9 = arith.extui %eq3A_8 : i1 to i32
    %cond3A_10 = arith.constant 0 : i32
    %cond3A_11 = arith.cmpi ne, %convert_element_type3A_9, %cond3A_10 : i32
    scf.if %cond3A_11 {
      %dma_start3A = arith.constant 0 : i32
      %dma_start3A_18 = arith.constant 0 : i32
      %dma_start3A_19 = tpu.memref_slice %arg5[%dma_start3A, %dma_start3A_18] : memref<2x10240xi32, #tpu.memory_space<vmem>> -> memref<2x10240xi32, #tpu.memory_space<vmem>>
      %dma_start3A_20 = arith.constant 0 : i32
      %dma_start3A_21 = arith.constant 299520 : i32
      %dma_start3A_22 = tpu.memref_slice %arg2[%dma_start3A_20, %dma_start3A_21] : memref<2x320000xi32, #tpu.memory_space<hbm>> -> memref<2x10240xi32, #tpu.memory_space<hbm>>
      %dma_start3A_23 = arith.constant 0 : i32
      %dma_start3A_24 = arith.constant 0 : i32
      %dma_start3A_25 = tpu.memref_slice %arg5[%dma_start3A_23, %dma_start3A_24] : memref<2x10240xi32, #tpu.memory_space<vmem>> -> memref<2x10240xi32, #tpu.memory_space<vmem>>
      %dma_start3A_26 = arith.constant 0 : i32
      %dma_start3A_27 = arith.constant 299520 : i32
      %dma_start3A_28 = tpu.memref_slice %arg2[%dma_start3A_26, %dma_start3A_27] : memref<2x320000xi32, #tpu.memory_space<hbm>> -> memref<2x10240xi32, #tpu.memory_space<hbm>>
      tpu.enqueue_dma source(%dma_start3A_28 : memref<2x10240xi32, #tpu.memory_space<hbm>>) target(%dma_start3A_25 : memref<2x10240xi32, #tpu.memory_space<vmem>>) target_semaphore(%arg12 : memref<!tpu.dma_semaphore, #tpu.memory_space<semaphore_mem>>)
      %dma_start3A_29 = arith.constant 0 : i32
      %dma_start3A_30 = arith.constant 0 : i32
      %dma_start3A_31 = tpu.memref_slice %arg6[%dma_start3A_29, %dma_start3A_30] : memref<2x10240xi32, #tpu.memory_space<vmem>> -> memref<2x10240xi32, #tpu.memory_space<vmem>>
      %dma_start3A_32 = arith.constant 0 : i32
      %dma_start3A_33 = arith.constant 309760 : i32
      %dma_start3A_34 = tpu.memref_slice %arg2[%dma_start3A_32, %dma_start3A_33] : memref<2x320000xi32, #tpu.memory_space<hbm>> -> memref<2x10240xi32, #tpu.memory_space<hbm>>
      %dma_start3A_35 = arith.constant 0 : i32
      %dma_start3A_36 = arith.constant 0 : i32
      %dma_start3A_37 = tpu.memref_slice %arg6[%dma_start3A_35, %dma_start3A_36] : memref<2x10240xi32, #tpu.memory_space<vmem>> -> memref<2x10240xi32, #tpu.memory_space<vmem>>
      %dma_start3A_38 = arith.constant 0 : i32
      %dma_start3A_39 = arith.constant 309760 : i32
      %dma_start3A_40 = tpu.memref_slice %arg2[%dma_start3A_38, %dma_start3A_39] : memref<2x320000xi32, #tpu.memory_space<hbm>> -> memref<2x10240xi32, #tpu.memory_space<hbm>>
      tpu.enqueue_dma source(%dma_start3A_40 : memref<2x10240xi32, #tpu.memory_space<hbm>>) target(%dma_start3A_37 : memref<2x10240xi32, #tpu.memory_space<vmem>>) target_semaphore(%arg13 : memref<!tpu.dma_semaphore, #tpu.memory_space<semaphore_mem>>)
      %dma_wait3A = arith.constant 0 : i32
      %dma_wait3A_41 = arith.constant 0 : i32
      %dma_wait3A_42 = tpu.memref_slice %arg5[%dma_wait3A, %dma_wait3A_41] : memref<2x10240xi32, #tpu.memory_space<vmem>> -> memref<2x10240xi32, #tpu.memory_space<vmem>>
      %dma_wait3A_43 = arith.constant 0 : i32
      %dma_wait3A_44 = arith.constant 299520 : i32
      %dma_wait3A_45 = tpu.memref_slice %arg2[%dma_wait3A_43, %dma_wait3A_44] : memref<2x320000xi32, #tpu.memory_space<hbm>> -> memref<2x10240xi32, #tpu.memory_space<hbm>>
      %dma_wait3A_46 = arith.constant 0 : i32
      %dma_wait3A_47 = arith.constant 0 : i32
      %dma_wait3A_48 = tpu.memref_slice %arg5[%dma_wait3A_46, %dma_wait3A_47] : memref<2x10240xi32, #tpu.memory_space<vmem>> -> memref<2x10240xi32, #tpu.memory_space<vmem>>
      %dma_wait3A_49 = arith.constant 0 : i32
      %dma_wait3A_50 = arith.constant 299520 : i32
      %dma_wait3A_51 = tpu.memref_slice %arg2[%dma_wait3A_49, %dma_wait3A_50] : memref<2x320000xi32, #tpu.memory_space<hbm>> -> memref<2x10240xi32, #tpu.memory_space<hbm>>
      tpu.wait_dma2 semaphore(%arg12 : memref<!tpu.dma_semaphore, #tpu.memory_space<semaphore_mem>>) src(%dma_wait3A_51 : memref<2x10240xi32, #tpu.memory_space<hbm>>) dst(%dma_wait3A_48 : memref<2x10240xi32, #tpu.memory_space<vmem>>)
      %scan3A = arith.constant 0 : i32
      %scan3A_52 = arith.constant 80 : i32
      %scan3A_53 = arith.addi %scan3A, %scan3A_52 : i32
      %scan3A_54 = arith.constant 1 : i32
      %scan3A_55 = scf.for %scan3A_76 = %scan3A to %scan3A_53 step %scan3A_54 iter_args(%scan3A_77 = %broadcast_in_dim3A_0) -> (vector<16xi32>)  : i32 {
        %mul3A_78 = arith.constant 128 : i32
        %mul3A_79 = arith.muli %scan3A_76, %mul3A_78 : i32
        %add3A = arith.constant 0 : i32
        %add3A_80 = arith.addi %mul3A_79, %add3A : i32
        %get3A = arith.constant 1 : i32
        %get3A_81 = arith.index_cast %get3A : i32 to index
        %get3A_82 = arith.index_cast %add3A_80 : i32 to index
        %get3A_83 = tpu.vector_load %arg5[%get3A_81, %get3A_82] {strides = array<i32>} : memref<2x10240xi32, #tpu.memory_space<vmem>>, vector<16xi32>,
        %bitcast3A = vector.bitcast %get3A_83 : vector<16xi32> to vector<16xi32>
        %lt3A_84 = arith.constant 10000 : i32
        %lt3A_85 = vector.broadcast %lt3A_84 : i32 to vector<16xi32>
        %lt3A_86 = arith.cmpi ult, %bitcast3A, %lt3A_85 : vector<16xi32>
        %all_reduce_population_count3A = tpu.all_reduce %lt3A_86 {dim = 0 : i64, kind = #tpu.reduction_kind<sum>} : vector<16xi1> -> vector<16xi32>
        %add3A_87 = arith.addi %scan3A_77, %all_reduce_population_count3A : vector<16xi32>
        %add3A_88 = arith.constant 16 : i32
        %add3A_89 = arith.addi %mul3A_79, %add3A_88 : i32
        %get3A_90 = arith.constant 1 : i32
        %get3A_91 = arith.index_cast %get3A_90 : i32 to index
        %get3A_92 = arith.index_cast %add3A_89 : i32 to index
        %get3A_93 = tpu.vector_load %arg5[%get3A_91, %get3A_92] {strides = array<i32>} : memref<2x10240xi32, #tpu.memory_space<vmem>>, vector<16xi32>,
        %bitcast3A_94 = vector.bitcast %get3A_93 : vector<16xi32> to vector<16xi32>
        %lt3A_95 = arith.constant 10000 : i32
        %lt3A_96 = vector.broadcast %lt3A_95 : i32 to vector<16xi32>
        %lt3A_97 = arith.cmpi ult, %bitcast3A_94, %lt3A_96 : vector<16xi32>
        %all_reduce_population_count3A_98 = tpu.all_reduce %lt3A_97 {dim = 0 : i64, kind = #tpu.reduction_kind<sum>} : vector<16xi1> -> vector<16xi32>
        %add3A_99 = arith.addi %add3A_87, %all_reduce_population_count3A_98 : vector<16xi32>
        %add3A_100 = arith.constant 32 : i32
        %add3A_101 = arith.addi %mul3A_79, %add3A_100 : i32
        %get3A_102 = arith.constant 1 : i32
        %get3A_103 = arith.index_cast %get3A_102 : i32 to index
        %get3A_104 = arith.index_cast %add3A_101 : i32 to index
        %get3A_105 = tpu.vector_load %arg5[%get3A_103, %get3A_104] {strides = array<i32>} : memref<2x10240xi32, #tpu.memory_space<vmem>>, vector<16xi32>,
        %bitcast3A_106 = vector.bitcast %get3A_105 : vector<16xi32> to vector<16xi32>
        %lt3A_107 = arith.constant 10000 : i32
        %lt3A_108 = vector.broadcast %lt3A_107 : i32 to vector<16xi32>
        %lt3A_109 = arith.cmpi ult, %bitcast3A_106, %lt3A_108 : vector<16xi32>
        %all_reduce_population_count3A_110 = tpu.all_reduce %lt3A_109 {dim = 0 : i64, kind = #tpu.reduction_kind<sum>} : vector<16xi1> -> vector<16xi32>
        %add3A_111 = arith.addi %add3A_99, %all_reduce_population_count3A_110 : vector<16xi32>
        %add3A_112 = arith.constant 48 : i32
        %add3A_113 = arith.addi %mul3A_79, %add3A_112 : i32
        %get3A_114 = arith.constant 1 : i32
        %get3A_115 = arith.index_cast %get3A_114 : i32 to index
        %get3A_116 = arith.index_cast %add3A_113 : i32 to index
        %get3A_117 = tpu.vector_load %arg5[%get3A_115, %get3A_116] {strides = array<i32>} : memref<2x10240xi32, #tpu.memory_space<vmem>>, vector<16xi32>,
        %bitcast3A_118 = vector.bitcast %get3A_117 : vector<16xi32> to vector<16xi32>
        %lt3A_119 = arith.constant 10000 : i32
        %lt3A_120 = vector.broadcast %lt3A_119 : i32 to vector<16xi32>
        %lt3A_121 = arith.cmpi ult, %bitcast3A_118, %lt3A_120 : vector<16xi32>
        %all_reduce_population_count3A_122 = tpu.all_reduce %lt3A_121 {dim = 0 : i64, kind = #tpu.reduction_kind<sum>} : vector<16xi1> -> vector<16xi32>
        %add3A_123 = arith.addi %add3A_111, %all_reduce_population_count3A_122 : vector<16xi32>
        %add3A_124 = arith.constant 64 : i32
        %add3A_125 = arith.addi %mul3A_79, %add3A_124 : i32
        %get3A_126 = arith.constant 1 : i32
        %get3A_127 = arith.index_cast %get3A_126 : i32 to index
        %get3A_128 = arith.index_cast %add3A_125 : i32 to index
        %get3A_129 = tpu.vector_load %arg5[%get3A_127, %get3A_128] {strides = array<i32>} : memref<2x10240xi32, #tpu.memory_space<vmem>>, vector<16xi32>,
        %bitcast3A_130 = vector.bitcast %get3A_129 : vector<16xi32> to vector<16xi32>
        %lt3A_131 = arith.constant 10000 : i32
        %lt3A_132 = vector.broadcast %lt3A_131 : i32 to vector<16xi32>
        %lt3A_133 = arith.cmpi ult, %bitcast3A_130, %lt3A_132 : vector<16xi32>
        %all_reduce_population_count3A_134 = tpu.all_reduce %lt3A_133 {dim = 0 : i64, kind = #tpu.reduction_kind<sum>} : vector<16xi1> -> vector<16xi32>
        %add3A_135 = arith.addi %add3A_123, %all_reduce_population_count3A_134 : vector<16xi32>
        %add3A_136 = arith.constant 80 : i32
        %add3A_137 = arith.addi %mul3A_79, %add3A_136 : i32
        %get3A_138 = arith.constant 1 : i32
        %get3A_139 = arith.index_cast %get3A_138 : i32 to index
        %get3A_140 = arith.index_cast %add3A_137 : i32 to index
        %get3A_141 = tpu.vector_load %arg5[%get3A_139, %get3A_140] {strides = array<i32>} : memref<2x10240xi32, #tpu.memory_space<vmem>>, vector<16xi32>,
        %bitcast3A_142 = vector.bitcast %get3A_141 : vector<16xi32> to vector<16xi32>
        %lt3A_143 = arith.constant 10000 : i32
        %lt3A_144 = vector.broadcast %lt3A_143 : i32 to vector<16xi32>
        %lt3A_145 = arith.cmpi ult, %bitcast3A_142, %lt3A_144 : vector<16xi32>
        %all_reduce_population_count3A_146 = tpu.all_reduce %lt3A_145 {dim = 0 : i64, kind = #tpu.reduction_kind<sum>} : vector<16xi1> -> vector<16xi32>
        %add3A_147 = arith.addi %add3A_135, %all_reduce_population_count3A_146 : vector<16xi32>
        %add3A_148 = arith.constant 96 : i32
        %add3A_149 = arith.addi %mul3A_79, %add3A_148 : i32
        %get3A_150 = arith.constant 1 : i32
        %get3A_151 = arith.index_cast %get3A_150 : i32 to index
        %get3A_152 = arith.index_cast %add3A_149 : i32 to index
        %get3A_153 = tpu.vector_load %arg5[%get3A_151, %get3A_152] {strides = array<i32>} : memref<2x10240xi32, #tpu.memory_space<vmem>>, vector<16xi32>,
        %bitcast3A_154 = vector.bitcast %get3A_153 : vector<16xi32> to vector<16xi32>
        %lt3A_155 = arith.constant 10000 : i32
        %lt3A_156 = vector.broadcast %lt3A_155 : i32 to vector<16xi32>
        %lt3A_157 = arith.cmpi ult, %bitcast3A_154, %lt3A_156 : vector<16xi32>
        %all_reduce_population_count3A_158 = tpu.all_reduce %lt3A_157 {dim = 0 : i64, kind = #tpu.reduction_kind<sum>} : vector<16xi1> -> vector<16xi32>
        %add3A_159 = arith.addi %add3A_147, %all_reduce_population_count3A_158 : vector<16xi32>
        %add3A_160 = arith.constant 112 : i32
        %add3A_161 = arith.addi %mul3A_79, %add3A_160 : i32
        %get3A_162 = arith.constant 1 : i32
        %get3A_163 = arith.index_cast %get3A_162 : i32 to index
        %get3A_164 = arith.index_cast %add3A_161 : i32 to index
        %get3A_165 = tpu.vector_load %arg5[%get3A_163, %get3A_164] {strides = array<i32>} : memref<2x10240xi32, #tpu.memory_space<vmem>>, vector<16xi32>,
        %bitcast3A_166 = vector.bitcast %get3A_165 : vector<16xi32> to vector<16xi32>
        %lt3A_167 = arith.constant 10000 : i32
        %lt3A_168 = vector.broadcast %lt3A_167 : i32 to vector<16xi32>
        %lt3A_169 = arith.cmpi ult, %bitcast3A_166, %lt3A_168 : vector<16xi32>
        %all_reduce_population_count3A_170 = tpu.all_reduce %lt3A_169 {dim = 0 : i64, kind = #tpu.reduction_kind<sum>} : vector<16xi1> -> vector<16xi32>
        %add3A_171 = arith.addi %add3A_159, %all_reduce_population_count3A_170 : vector<16xi32>
        scf.yield %add3A_171 : vector<16xi32>
      }
      %scan3A_56 = arith.constant 80 : i32
      %dma_wait3A_57 = arith.constant 0 : i32
      %dma_wait3A_58 = arith.constant 0 : i32
      %dma_wait3A_59 = tpu.memref_slice %arg6[%dma_wait3A_57, %dma_wait3A_58] : memref<2x10240xi32, #tpu.memory_space<vmem>> -> memref<2x10240xi32, #tpu.memory_space<vmem>>
      %dma_wait3A_60 = arith.constant 0 : i32
      %dma_wait3A_61 = arith.constant 309760 : i32
      %dma_wait3A_62 = tpu.memref_slice %arg2[%dma_wait3A_60, %dma_wait3A_61] : memref<2x320000xi32, #tpu.memory_space<hbm>> -> memref<2x10240xi32, #tpu.memory_space<hbm>>
      %dma_wait3A_63 = arith.constant 0 : i32
      %dma_wait3A_64 = arith.constant 0 : i32
      %dma_wait3A_65 = tpu.memref_slice %arg6[%dma_wait3A_63, %dma_wait3A_64] : memref<2x10240xi32, #tpu.memory_space<vmem>> -> memref<2x10240xi32, #tpu.memory_space<vmem>>
      %dma_wait3A_66 = arith.constant 0 : i32
      %dma_wait3A_67 = arith.constant 309760 : i32
      %dma_wait3A_68 = tpu.memref_slice %arg2[%dma_wait3A_66, %dma_wait3A_67] : memref<2x320000xi32, #tpu.memory_space<hbm>> -> memref<2x10240xi32, #tpu.memory_space<hbm>>
      tpu.wait_dma2 semaphore(%arg13 : memref<!tpu.dma_semaphore, #tpu.memory_space<semaphore_mem>>) src(%dma_wait3A_68 : memref<2x10240xi32, #tpu.memory_space<hbm>>) dst(%dma_wait3A_65 : memref<2x10240xi32, #tpu.memory_space<vmem>>)
      %scan3A_69 = arith.constant 0 : i32
      %scan3A_70 = arith.constant 80 : i32
      %scan3A_71 = arith.addi %scan3A_69, %scan3A_70 : i32
      %scan3A_72 = arith.constant 1 : i32
      %scan3A_73 = scf.for %scan3A_76 = %scan3A_69 to %scan3A_71 step %scan3A_72 iter_args(%scan3A_77 = %scan3A_55) -> (vector<16xi32>)  : i32 {
        %mul3A_78 = arith.constant 128 : i32
        %mul3A_79 = arith.muli %scan3A_76, %mul3A_78 : i32
        %add3A = arith.constant 0 : i32
        %add3A_80 = arith.addi %mul3A_79, %add3A : i32
        %get3A = arith.constant 1 : i32
        %get3A_81 = arith.index_cast %get3A : i32 to index
        %get3A_82 = arith.index_cast %add3A_80 : i32 to index
        %get3A_83 = tpu.vector_load %arg6[%get3A_81, %get3A_82] {strides = array<i32>} : memref<2x10240xi32, #tpu.memory_space<vmem>>, vector<16xi32>,
        %bitcast3A = vector.bitcast %get3A_83 : vector<16xi32> to vector<16xi32>
        %lt3A_84 = arith.constant 10000 : i32
        %lt3A_85 = vector.broadcast %lt3A_84 : i32 to vector<16xi32>
        %lt3A_86 = arith.cmpi ult, %bitcast3A, %lt3A_85 : vector<16xi32>
        %all_reduce_population_count3A = tpu.all_reduce %lt3A_86 {dim = 0 : i64, kind = #tpu.reduction_kind<sum>} : vector<16xi1> -> vector<16xi32>
        %add3A_87 = arith.addi %scan3A_77, %all_reduce_population_count3A : vector<16xi32>
        %add3A_88 = arith.constant 16 : i32
        %add3A_89 = arith.addi %mul3A_79, %add3A_88 : i32
        %get3A_90 = arith.constant 1 : i32
        %get3A_91 = arith.index_cast %get3A_90 : i32 to index
        %get3A_92 = arith.index_cast %add3A_89 : i32 to index
        %get3A_93 = tpu.vector_load %arg6[%get3A_91, %get3A_92] {strides = array<i32>} : memref<2x10240xi32, #tpu.memory_space<vmem>>, vector<16xi32>,
        %bitcast3A_94 = vector.bitcast %get3A_93 : vector<16xi32> to vector<16xi32>
        %lt3A_95 = arith.constant 10000 : i32
        %lt3A_96 = vector.broadcast %lt3A_95 : i32 to vector<16xi32>
        %lt3A_97 = arith.cmpi ult, %bitcast3A_94, %lt3A_96 : vector<16xi32>
        %all_reduce_population_count3A_98 = tpu.all_reduce %lt3A_97 {dim = 0 : i64, kind = #tpu.reduction_kind<sum>} : vector<16xi1> -> vector<16xi32>
        %add3A_99 = arith.addi %add3A_87, %all_reduce_population_count3A_98 : vector<16xi32>
        %add3A_100 = arith.constant 32 : i32
        %add3A_101 = arith.addi %mul3A_79, %add3A_100 : i32
        %get3A_102 = arith.constant 1 : i32
        %get3A_103 = arith.index_cast %get3A_102 : i32 to index
        %get3A_104 = arith.index_cast %add3A_101 : i32 to index
        %get3A_105 = tpu.vector_load %arg6[%get3A_103, %get3A_104] {strides = array<i32>} : memref<2x10240xi32, #tpu.memory_space<vmem>>, vector<16xi32>,
        %bitcast3A_106 = vector.bitcast %get3A_105 : vector<16xi32> to vector<16xi32>
        %lt3A_107 = arith.constant 10000 : i32
        %lt3A_108 = vector.broadcast %lt3A_107 : i32 to vector<16xi32>
        %lt3A_109 = arith.cmpi ult, %bitcast3A_106, %lt3A_108 : vector<16xi32>
        %all_reduce_population_count3A_110 = tpu.all_reduce %lt3A_109 {dim = 0 : i64, kind = #tpu.reduction_kind<sum>} : vector<16xi1> -> vector<16xi32>
        %add3A_111 = arith.addi %add3A_99, %all_reduce_population_count3A_110 : vector<16xi32>
        %add3A_112 = arith.constant 48 : i32
        %add3A_113 = arith.addi %mul3A_79, %add3A_112 : i32
        %get3A_114 = arith.constant 1 : i32
        %get3A_115 = arith.index_cast %get3A_114 : i32 to index
        %get3A_116 = arith.index_cast %add3A_113 : i32 to index
        %get3A_117 = tpu.vector_load %arg6[%get3A_115, %get3A_116] {strides = array<i32>} : memref<2x10240xi32, #tpu.memory_space<vmem>>, vector<16xi32>,
        %bitcast3A_118 = vector.bitcast %get3A_117 : vector<16xi32> to vector<16xi32>
        %lt3A_119 = arith.constant 10000 : i32
        %lt3A_120 = vector.broadcast %lt3A_119 : i32 to vector<16xi32>
        %lt3A_121 = arith.cmpi ult, %bitcast3A_118, %lt3A_120 : vector<16xi32>
        %all_reduce_population_count3A_122 = tpu.all_reduce %lt3A_121 {dim = 0 : i64, kind = #tpu.reduction_kind<sum>} : vector<16xi1> -> vector<16xi32>
        %add3A_123 = arith.addi %add3A_111, %all_reduce_population_count3A_122 : vector<16xi32>
        %add3A_124 = arith.constant 64 : i32
        %add3A_125 = arith.addi %mul3A_79, %add3A_124 : i32
        %get3A_126 = arith.constant 1 : i32
        %get3A_127 = arith.index_cast %get3A_126 : i32 to index
        %get3A_128 = arith.index_cast %add3A_125 : i32 to index
        %get3A_129 = tpu.vector_load %arg6[%get3A_127, %get3A_128] {strides = array<i32>} : memref<2x10240xi32, #tpu.memory_space<vmem>>, vector<16xi32>,
        %bitcast3A_130 = vector.bitcast %get3A_129 : vector<16xi32> to vector<16xi32>
        %lt3A_131 = arith.constant 10000 : i32
        %lt3A_132 = vector.broadcast %lt3A_131 : i32 to vector<16xi32>
        %lt3A_133 = arith.cmpi ult, %bitcast3A_130, %lt3A_132 : vector<16xi32>
        %all_reduce_population_count3A_134 = tpu.all_reduce %lt3A_133 {dim = 0 : i64, kind = #tpu.reduction_kind<sum>} : vector<16xi1> -> vector<16xi32>
        %add3A_135 = arith.addi %add3A_123, %all_reduce_population_count3A_134 : vector<16xi32>
        %add3A_136 = arith.constant 80 : i32
        %add3A_137 = arith.addi %mul3A_79, %add3A_136 : i32
        %get3A_138 = arith.constant 1 : i32
        %get3A_139 = arith.index_cast %get3A_138 : i32 to index
        %get3A_140 = arith.index_cast %add3A_137 : i32 to index
        %get3A_141 = tpu.vector_load %arg6[%get3A_139, %get3A_140] {strides = array<i32>} : memref<2x10240xi32, #tpu.memory_space<vmem>>, vector<16xi32>,
        %bitcast3A_142 = vector.bitcast %get3A_141 : vector<16xi32> to vector<16xi32>
        %lt3A_143 = arith.constant 10000 : i32
        %lt3A_144 = vector.broadcast %lt3A_143 : i32 to vector<16xi32>
        %lt3A_145 = arith.cmpi ult, %bitcast3A_142, %lt3A_144 : vector<16xi32>
        %all_reduce_population_count3A_146 = tpu.all_reduce %lt3A_145 {dim = 0 : i64, kind = #tpu.reduction_kind<sum>} : vector<16xi1> -> vector<16xi32>
        %add3A_147 = arith.addi %add3A_135, %all_reduce_population_count3A_146 : vector<16xi32>
        %add3A_148 = arith.constant 96 : i32
        %add3A_149 = arith.addi %mul3A_79, %add3A_148 : i32
        %get3A_150 = arith.constant 1 : i32
        %get3A_151 = arith.index_cast %get3A_150 : i32 to index
        %get3A_152 = arith.index_cast %add3A_149 : i32 to index
        %get3A_153 = tpu.vector_load %arg6[%get3A_151, %get3A_152] {strides = array<i32>} : memref<2x10240xi32, #tpu.memory_space<vmem>>, vector<16xi32>,
        %bitcast3A_154 = vector.bitcast %get3A_153 : vector<16xi32> to vector<16xi32>
        %lt3A_155 = arith.constant 10000 : i32
        %lt3A_156 = vector.broadcast %lt3A_155 : i32 to vector<16xi32>
        %lt3A_157 = arith.cmpi ult, %bitcast3A_154, %lt3A_156 : vector<16xi32>
        %all_reduce_population_count3A_158 = tpu.all_reduce %lt3A_157 {dim = 0 : i64, kind = #tpu.reduction_kind<sum>} : vector<16xi1> -> vector<16xi32>
        %add3A_159 = arith.addi %add3A_147, %all_reduce_population_count3A_158 : vector<16xi32>
        %add3A_160 = arith.constant 112 : i32
        %add3A_161 = arith.addi %mul3A_79, %add3A_160 : i32
        %get3A_162 = arith.constant 1 : i32
        %get3A_163 = arith.index_cast %get3A_162 : i32 to index
        %get3A_164 = arith.index_cast %add3A_161 : i32 to index
        %get3A_165 = tpu.vector_load %arg6[%get3A_163, %get3A_164] {strides = array<i32>} : memref<2x10240xi32, #tpu.memory_space<vmem>>, vector<16xi32>,
        %bitcast3A_166 = vector.bitcast %get3A_165 : vector<16xi32> to vector<16xi32>
        %lt3A_167 = arith.constant 10000 : i32
        %lt3A_168 = vector.broadcast %lt3A_167 : i32 to vector<16xi32>
        %lt3A_169 = arith.cmpi ult, %bitcast3A_166, %lt3A_168 : vector<16xi32>
        %all_reduce_population_count3A_170 = tpu.all_reduce %lt3A_169 {dim = 0 : i64, kind = #tpu.reduction_kind<sum>} : vector<16xi1> -> vector<16xi32>
        %add3A_171 = arith.addi %add3A_159, %all_reduce_population_count3A_170 : vector<16xi32>
        scf.yield %add3A_171 : vector<16xi32>
      }
      %scan3A_74 = arith.constant 80 : i32
      %swap3A = arith.constant 0 : index
      %swap3A_75 = tpu.vector_load %arg8[%swap3A] {strides = array<i32>} : memref<16xi32, #tpu.memory_space<vmem>>, vector<16xi32>,
      tpu.vector_store %arg8[%swap3A], %scan3A_73 {strides = array<i32>} : memref<16xi32, #tpu.memory_space<vmem>>, vector<16xi32>,
    } else {
    }
    %mul3A = arith.constant 16 : i32
    %mul3A_12 = arith.muli %arg1, %mul3A : i32
    "tpu.region"() ({
      %run_scoped3A = tpu.sem_alloc : memref<!tpu.dma_semaphore, #tpu.memory_space<semaphore_mem>>
      %dma_start3A = tpu.memref_slice %arg11[%mul3A_12] : memref<256xi32, #tpu.memory_space<vmem_shared>> -> memref<16xi32, #tpu.memory_space<vmem_shared>>
      %dma_start3A_18 = tpu.memref_slice %arg11[%mul3A_12] : memref<256xi32, #tpu.memory_space<vmem_shared>> -> memref<16xi32, #tpu.memory_space<vmem_shared>>
      tpu.enqueue_dma source(%arg8 : memref<16xi32, #tpu.memory_space<vmem>>) target(%dma_start3A_18 : memref<16xi32, #tpu.memory_space<vmem_shared>>) target_semaphore(%run_scoped3A : memref<!tpu.dma_semaphore, #tpu.memory_space<semaphore_mem>>)
      %dma_wait3A = tpu.memref_slice %arg11[%mul3A_12] : memref<256xi32, #tpu.memory_space<vmem_shared>> -> memref<16xi32, #tpu.memory_space<vmem_shared>>
      %dma_wait3A_19 = tpu.memref_slice %arg11[%mul3A_12] : memref<256xi32, #tpu.memory_space<vmem_shared>> -> memref<16xi32, #tpu.memory_space<vmem_shared>>
      tpu.wait_dma2 semaphore(%run_scoped3A : memref<!tpu.dma_semaphore, #tpu.memory_space<semaphore_mem>>) src(%arg8 : memref<16xi32, #tpu.memory_space<vmem>>) dst(%dma_wait3A_19 : memref<16xi32, #tpu.memory_space<vmem_shared>>)
      tpu.yield
    }) : () -> ()
    %barrier3A = arith.constant 0 : index
    tpu.barrier barrier_id(%barrier3A)
    %eq3A_13 = arith.constant 0 : i32
    %eq3A_14 = arith.cmpi eq, %arg1, %eq3A_13 : i32
    %convert_element_type3A_15 = arith.extui %eq3A_14 : i1 to i32
    %cond3A_16 = arith.constant 0 : i32
    %cond3A_17 = arith.cmpi ne, %convert_element_type3A_15, %cond3A_16 : i32
    scf.if %cond3A_17 {
      "tpu.region"() ({
        %run_scoped3A = tpu.sem_alloc : memref<!tpu.dma_semaphore, #tpu.memory_space<semaphore_mem>>
        tpu.enqueue_dma source(%arg11 : memref<256xi32, #tpu.memory_space<vmem_shared>>) target(%arg10 : memref<256xi32, #tpu.memory_space<vmem>>) target_semaphore(%run_scoped3A : memref<!tpu.dma_semaphore, #tpu.memory_space<semaphore_mem>>)
        tpu.wait_dma2 semaphore(%run_scoped3A : memref<!tpu.dma_semaphore, #tpu.memory_space<semaphore_mem>>) src(%arg11 : memref<256xi32, #tpu.memory_space<vmem_shared>>) dst(%arg10 : memref<256xi32, #tpu.memory_space<vmem>>)
        tpu.yield
      }) : () -> ()
      %get3A = arith.constant 0 : index
      %get3A_18 = tpu.vector_load %arg10[%get3A] {strides = array<i32>} : memref<256xi32, #tpu.memory_space<vmem>>, vector<16xi32>,
      %get3A_19 = arith.constant 16 : index
      %get3A_20 = tpu.vector_load %arg10[%get3A_19] {strides = array<i32>} : memref<256xi32, #tpu.memory_space<vmem>>, vector<16xi32>,
      %add3A = arith.addi %get3A_18, %get3A_20 : vector<16xi32>
      %get3A_21 = arith.constant 32 : index
      %get3A_22 = tpu.vector_load %arg10[%get3A_21] {strides = array<i32>} : memref<256xi32, #tpu.memory_space<vmem>>, vector<16xi32>,
      %add3A_23 = arith.addi %add3A, %get3A_22 : vector<16xi32>
      %get3A_24 = arith.constant 48 : index
      %get3A_25 = tpu.vector_load %arg10[%get3A_24] {strides = array<i32>} : memref<256xi32, #tpu.memory_space<vmem>>, vector<16xi32>,
      %add3A_26 = arith.addi %add3A_23, %get3A_25 : vector<16xi32>
      %get3A_27 = arith.constant 64 : index
      %get3A_28 = tpu.vector_load %arg10[%get3A_27] {strides = array<i32>} : memref<256xi32, #tpu.memory_space<vmem>>, vector<16xi32>,
      %add3A_29 = arith.addi %add3A_26, %get3A_28 : vector<16xi32>
      %get3A_30 = arith.constant 80 : index
      %get3A_31 = tpu.vector_load %arg10[%get3A_30] {strides = array<i32>} : memref<256xi32, #tpu.memory_space<vmem>>, vector<16xi32>,
      %add3A_32 = arith.addi %add3A_29, %get3A_31 : vector<16xi32>
      %get3A_33 = arith.constant 96 : index
      %get3A_34 = tpu.vector_load %arg10[%get3A_33] {strides = array<i32>} : memref<256xi32, #tpu.memory_space<vmem>>, vector<16xi32>,
      %add3A_35 = arith.addi %add3A_32, %get3A_34 : vector<16xi32>
      %get3A_36 = arith.constant 112 : index
      %get3A_37 = tpu.vector_load %arg10[%get3A_36] {strides = array<i32>} : memref<256xi32, #tpu.memory_space<vmem>>, vector<16xi32>,
      %add3A_38 = arith.addi %add3A_35, %get3A_37 : vector<16xi32>
      %get3A_39 = arith.constant 128 : index
      %get3A_40 = tpu.vector_load %arg10[%get3A_39] {strides = array<i32>} : memref<256xi32, #tpu.memory_space<vmem>>, vector<16xi32>,
      %add3A_41 = arith.addi %add3A_38, %get3A_40 : vector<16xi32>
      %get3A_42 = arith.constant 144 : index
      %get3A_43 = tpu.vector_load %arg10[%get3A_42] {strides = array<i32>} : memref<256xi32, #tpu.memory_space<vmem>>, vector<16xi32>,
      %add3A_44 = arith.addi %add3A_41, %get3A_43 : vector<16xi32>
      %get3A_45 = arith.constant 160 : index
      %get3A_46 = tpu.vector_load %arg10[%get3A_45] {strides = array<i32>} : memref<256xi32, #tpu.memory_space<vmem>>, vector<16xi32>,
      %add3A_47 = arith.addi %add3A_44, %get3A_46 : vector<16xi32>
      %get3A_48 = arith.constant 176 : index
      %get3A_49 = tpu.vector_load %arg10[%get3A_48] {strides = array<i32>} : memref<256xi32, #tpu.memory_space<vmem>>, vector<16xi32>,
      %add3A_50 = arith.addi %add3A_47, %get3A_49 : vector<16xi32>
      %get3A_51 = arith.constant 192 : index
      %get3A_52 = tpu.vector_load %arg10[%get3A_51] {strides = array<i32>} : memref<256xi32, #tpu.memory_space<vmem>>, vector<16xi32>,
      %add3A_53 = arith.addi %add3A_50, %get3A_52 : vector<16xi32>
      %get3A_54 = arith.constant 208 : index
      %get3A_55 = tpu.vector_load %arg10[%get3A_54] {strides = array<i32>} : memref<256xi32, #tpu.memory_space<vmem>>, vector<16xi32>,
      %add3A_56 = arith.addi %add3A_53, %get3A_55 : vector<16xi32>
      %get3A_57 = arith.constant 224 : index
      %get3A_58 = tpu.vector_load %arg10[%get3A_57] {strides = array<i32>} : memref<256xi32, #tpu.memory_space<vmem>>, vector<16xi32>,
      %add3A_59 = arith.addi %add3A_56, %get3A_58 : vector<16xi32>
      %get3A_60 = arith.constant 240 : index
      %get3A_61 = tpu.vector_load %arg10[%get3A_60] {strides = array<i32>} : memref<256xi32, #tpu.memory_space<vmem>>, vector<16xi32>,
      %add3A_62 = arith.addi %add3A_59, %get3A_61 : vector<16xi32>
      %dma_wait3A = arith.constant 0 : i32
      %dma_wait3A_63 = tpu.memref_slice %arg7[%dma_wait3A] : memref<16xf32, #tpu.memory_space<vmem>> -> memref<1xf32, #tpu.memory_space<vmem>>
      %dma_wait3A_64 = arith.constant 0 : i32
      %dma_wait3A_65 = tpu.memref_slice %arg7[%dma_wait3A_64] : memref<16xf32, #tpu.memory_space<vmem>> -> memref<1xf32, #tpu.memory_space<vmem>>
      tpu.wait_dma2 semaphore(%arg14 : memref<!tpu.dma_semaphore, #tpu.memory_space<semaphore_mem>>) src(%arg3 : memref<1xf32, #tpu.memory_space<hbm>>) dst(%dma_wait3A_65 : memref<1xf32, #tpu.memory_space<vmem>>)
      %get3A_66 = arith.constant 0 : index
      %get3A_67 = tpu.vector_load %arg7[%get3A_66] {strides = array<i32>} : memref<16xf32, #tpu.memory_space<vmem>>, vector<16xf32>,
      %neg3A = arith.constant 0.000000e+00 : f32
      %neg3A_68 = vector.broadcast %neg3A : f32 to vector<16xf32>
      %neg3A_69 = arith.subf %neg3A_68, %get3A_67 : vector<16xf32>
      %exp3A = math.exp %neg3A_69 : vector<16xf32>
      %add3A_70 = arith.constant 1.000000e+00 : f32
      %add3A_71 = vector.broadcast %add3A_70 : f32 to vector<16xf32>
      %add3A_72 = arith.addf %add3A_71, %exp3A : vector<16xf32>
      %div3A = arith.constant 1.000000e+00 : f32
      %div3A_73 = vector.broadcast %div3A : f32 to vector<16xf32>
      %div3A_74 = arith.divf %div3A_73, %add3A_72 : vector<16xf32>
      %iota3A = tpu.iota {dimensions = array<i32: 0>} : vector<16xi32>
      %convert_element_type3A_75 = arith.sitofp %add3A_62 : vector<16xi32> to vector<16xf32>
      %mul3A_76 = arith.constant 5.000000e-05 : f32
      %mul3A_77 = vector.broadcast %mul3A_76 : f32 to vector<16xf32>
      %mul3A_78 = arith.mulf %convert_element_type3A_75, %mul3A_77 : vector<16xf32>
      %eq3A_79 = arith.constant 9 : i32
      %eq3A_80 = vector.broadcast %eq3A_79 : i32 to vector<16xi32>
      %eq3A_81 = arith.cmpi eq, %iota3A, %eq3A_80 : vector<16xi32>
      %eq3A_82 = arith.constant 0 : i32
      %eq3A_83 = vector.broadcast %eq3A_82 : i32 to vector<16xi32>
      %eq3A_84 = arith.cmpi eq, %iota3A, %eq3A_83 : vector<16xi32>
      %jit3A = arith.constant 0.000000e+00 : f32
      %broadcast_in_dim3A_85 = vector.broadcast %jit3A : f32 to vector<16xf32>
      %select_n3A = arith.select %eq3A_84, %div3A_74, %broadcast_in_dim3A_85 : vector<16xi1>, vector<16xf32>
      %select_n3A_86 = arith.select %eq3A_81, %mul3A_78, %select_n3A : vector<16xi1>, vector<16xf32>
      %swap3A = arith.constant 0 : index
      %swap3A_87 = tpu.vector_load %arg9[%swap3A] {strides = array<i32>} : memref<16xf32, #tpu.memory_space<vmem>>, vector<16xf32>,
      tpu.vector_store %arg9[%swap3A], %select_n3A_86 {strides = array<i32>} : memref<16xf32, #tpu.memory_space<vmem>>, vector<16xf32>,
      "tpu.region"() ({
        %run_scoped3A = tpu.sem_alloc : memref<!tpu.dma_semaphore, #tpu.memory_space<semaphore_mem>>
        tpu.enqueue_dma source(%arg9 : memref<16xf32, #tpu.memory_space<vmem>>) target(%arg4 : memref<16xf32, #tpu.memory_space<hbm>>) target_semaphore(%run_scoped3A : memref<!tpu.dma_semaphore, #tpu.memory_space<semaphore_mem>>)
        tpu.wait_dma2 semaphore(%run_scoped3A : memref<!tpu.dma_semaphore, #tpu.memory_space<semaphore_mem>>) src(%arg9 : memref<16xf32, #tpu.memory_space<vmem>>) dst(%arg4 : memref<16xf32, #tpu.memory_space<hbm>>)
        tpu.yield
      }) : () -> ()
    } else {
    }
    return
  }
}

</mosaic_0001>

<sc_bundles>
// kernel: kernel.3.cloned.1.call-start
scs
__scs_entry_jumppad:
0x0: {  	(pc) =	sbr.rel $0x88, $3  }
0x1: {  	(tag) =	ssettag $0x0;
	lr =	simm.s32 $0x1  }
0x2: {  	[smem:$0x3F9F] =	sst lr;
	_ =	strace $0xD0000000  }
0x3: {  	_ = 	snop  }
0x4: {  	_ = 	snop  }
0x5: {  	_ = 	snop  }
0x6: {  	_ = 	snop  }
0x7: {  	_ = 	snop  }
__scs_overlays_trampoline_lowered:
0x8: {  	[smem:$0x3FAE] =	sst s0  }
0x9: {  	[smem:$0x3FAF] =	sst s1  }
0xa: {  	[smem:$0x3FB0] =	sst s2  }
0xb: {  	[smem:$0x3FB1] =	sst s3  }
0xc: {  	[smem:$0x3FB2] =	sst s4  }
0xd: {  	[smem:$0x3FB3] =	sst s5  }
0xe: {  	[smem:$0x3FB4] =	sst s6  }
0xf: {  	[smem:$0x3FB5] =	sst s7  }
0x10: {  	[smem:$0x3FB6] =	sst s8  }
0x11: {  	[smem:$0x3FB7] =	sst s9;
	s0 =	simm.s32 @!p0 $0x0  }
0x12: {  	s1 =	sld [smem:$0x3F9D];
	s0 =	simm.s32 @p0 $0x1  }
0x13: {  	[smem:$0x3FB8] =	sst s0;
	s0 =	simm.s32 @!p1 $0x0  }
0x14: {  	s2 =	sld [smem:$0x3F9C];
	s0 =	simm.s32 @p1 $0x1  }
0x15: {  	[smem:$0x3FB9] =	sst s0;
	s0 =	simm.s32 @!p2 $0x0  }
0x16: {  	s3 =	sld [smem:$0x3FDB];
	s0 =	simm.s32 @p2 $0x1  }
0x17: {  	s4 =	simm.s32 $0x1BF5;
	[smem:$0x3FBB] =	sst s0  }
0x18: {  	s0 =	sld [smem:$0x3F9E];
	_ =	swait.ge [sflag:s4], $0x0  }
0x19: {  	s7 =	sld [smem:$0x3F9F]  }
0x1a: {  	s8 =	sadd.s32 $0xFFFFE003, lr  }
0x1b: {  	s9 =	sadd.s32 $0xFFFFFEF7, lr;
	s5 =	simm.s32 $0xFFFFFFFF;
	p2 =	slt.u32 s8, $0xFFFFF086  }
0x1c: {  	p1 =	slt.u32 s9, $0xF7A;
	s5 =	simm.s32 @!p2 $0x0  }
0x1d: {  	s5 =	simm.s32 @p1 $0x1;
	p0 =	seq.s32 s7, s2  }
0x1e: {  	s7 =	smul.u32 @!p0 $0xF7A, s2;
	p2 =	seq.s32 @!p0 s5, $0x0  }
0x1f: {  	s9 =	smul.u32 $0xF7A, s1;
	s8 =	simm.s32 @!p0 $0x1BF5;
	p2 =	por !p2, p0  }
0x20: {  	[sflag:s8] =	ssyncset.s32 @!p0 $0xFFFFF086;
	s6 =	sadd.s32 @!p0 s3, s7;
	s7 =	simm.s32 @!p0 $0x108  }
0x21: {  	s3 =	sadd.s32 s3, s9;
	s6 =	sadd.s32 @!p0 $0x88, s6;
	s7 =	simm.s32 @p2 $0x1082  }
0x22: {  	[simem:s7], [sflag:s8] =	dma.local @!p0 [hbm:s6], $0xF7A  }
0x23: {  	s9 =	sor.u32 $0xD0000000, s2;
	s6 =	simm.s32 $0x108;
	_ =	swait.ge @!p0 [sflag:s8], $0x0  }
0x24: {  	s3 =	sadd.s32 $0x88, s3;
	s6 =	simm.s32 @!p1 $0x1082;
	[sflag:s4] =	ssyncset.s32 $0xFFFFF086  }
0x25: {  	[simem:s6], [sflag:s4] =	dma.local [hbm:s3], $0xF7A  }
0x26: {  	[smem:$0x3F9F] =	sst s1;
	(tag) =	ssettag s2;
	_ =	strace s9  }
0x27: {  	s1 =	sld [smem:$0x3FAF]  }
0x28: {  	s2 =	sld [smem:$0x3FB0]  }
0x29: {  	s4 =	sld [smem:$0x3FB2]  }
0x2a: {  	p0 =	seq.s32 s5, $0x0;
	s5 =	sld [smem:$0x3FB3]  }
0x2b: {  	s6 =	sld [smem:$0x3FB4]  }
0x2c: {  	s7 =	sld [smem:$0x3FB5]  }
0x2d: {  	s3 =	simm.s32 $0x108;
	s8 =	sld [smem:$0x3FB6]  }
0x2e: {  	s3 =	simm.s32 @!p0 $0x1082;
	s9 =	sld [smem:$0x3FB7]  }
0x2f: {  	lr =	sadd.s32 s0, s3;
	s0 =	sld [smem:$0x3FAE]  }
0x30: {  	s3 =	sld [smem:$0x3FB1]  }
0x31: {  	[smem:$0x3FBA] =	sst s10  }
0x32: {  	s10 =	sld [smem:$0x3FB8];
	_ =	sdelay $0x3  }
0x33: {  	p0 =	seq.s32 s10, $0x1;
	s10 =	sld [smem:$0x3FBA];
	_ =	sdelay $0x3  }
0x34: {  	[smem:$0x3FBA] =	sst s10  }
0x35: {  	s10 =	sld [smem:$0x3FB9];
	_ =	sdelay $0x3  }
0x36: {  	p1 =	seq.s32 s10, $0x1;
	s10 =	sld [smem:$0x3FBA];
	_ =	sdelay $0x3  }
0x37: {  	[smem:$0x3FBA] =	sst s10  }
0x38: {  	s10 =	sld [smem:$0x3FBB]  }
0x39: {  	_ = 	snop;
	(pc) =	sbr.ind lr, $3  }
0x3a: {  	_ = 	snop  }
0x3b: {  	_ = 	snop  }
0x3c: {  	p2 =	seq.s32 s10, $0x1;
	s10 =	sld [smem:$0x3FBA]  }
0x3d: {  	_ =	shalt  }
0x3e: {  	_ =	shalt  }
0x3f: {  	_ =	shalt  }
0x40: {  	_ =	shalt  }
0x41: {  	_ =	shalt  }
0x42: {  	_ =	shalt  }
0x43: {  	_ =	shalt  }
0x44: {  	_ =	shalt  }
0x45: {  	_ =	shalt  }
0x46: {  	_ =	shalt  }
0x47: {  	_ =	shalt  }
0x48: {  	_ =	shalt  }
0x49: {  	_ =	shalt  }
0x4a: {  	_ =	shalt  }
0x4b: {  	_ =	shalt  }
0x4c: {  	_ =	shalt  }
0x4d: {  	_ =	shalt  }
0x4e: {  	_ =	shalt  }
0x4f: {  	_ =	shalt  }
0x50: {  	_ =	shalt  }
0x51: {  	_ =	shalt  }
0x52: {  	_ =	shalt  }
0x53: {  	_ =	shalt  }
0x54: {  	_ =	shalt  }
0x55: {  	_ =	shalt  }
0x56: {  	_ =	shalt  }
0x57: {  	_ =	shalt  }
0x58: {  	_ =	shalt  }
0x59: {  	_ =	shalt  }
0x5a: {  	_ =	shalt  }
0x5b: {  	_ =	shalt  }
0x5c: {  	_ =	shalt  }
0x5d: {  	_ =	shalt  }
0x5e: {  	_ =	shalt  }
0x5f: {  	_ =	shalt  }
0x60: {  	_ =	shalt  }
0x61: {  	_ =	shalt  }
0x62: {  	_ =	shalt  }
0x63: {  	_ =	shalt  }
0x64: {  	_ =	shalt  }
0x65: {  	_ =	shalt  }
0x66: {  	_ =	shalt  }
0x67: {  	_ =	shalt  }
0x68: {  	_ =	shalt  }
0x69: {  	_ =	shalt  }
0x6a: {  	_ =	shalt  }
0x6b: {  	_ =	shalt  }
0x6c: {  	_ =	shalt  }
0x6d: {  	_ =	shalt  }
0x6e: {  	_ =	shalt  }
0x6f: {  	_ =	shalt  }
0x70: {  	_ =	shalt  }
0x71: {  	_ =	shalt  }
0x72: {  	_ =	shalt  }
0x73: {  	_ =	shalt  }
0x74: {  	_ =	shalt  }
0x75: {  	_ =	shalt  }
0x76: {  	_ =	shalt  }
0x77: {  	_ =	shalt  }
0x78: {  	_ =	shalt  }
0x79: {  	_ =	shalt  }
0x7a: {  	_ =	shalt  }
0x7b: {  	_ =	shalt  }
0x7c: {  	_ =	shalt  }
0x7d: {  	_ =	shalt  }
0x7e: {  	_ =	shalt  }
0x7f: {  	_ =	shalt  }
0x80: {  	_ =	shalt  }
0x81: {  	_ =	shalt  }
0x82: {  	_ =	shalt  }
0x83: {  	_ =	shalt  }
0x84: {  	_ =	shalt  }
0x85: {  	_ =	shalt  }
0x86: {  	_ =	shalt  }
0x87: {  	_ =	shalt  }
.Lfunc_end0:
.L_simem_size_0:
called_computation_lowered:
.L_overlay_start_0:
0x88: {  	s0 =	sld [smem:$0x3FD9]  }
0x89: {  	s1 =	sld [smem:$0x3FFE];
	_ =	sdelay $0x3  }
0x8a: {  	s0 =	sadd.s32 s1, s0  }
0x8b: {  	[smem:$0x3FC6] =	sst s0  }
0x8c: {  	_ = 	snop  }
0x8d: {  	s0 =	sld [smem:$0x3FD0];
	_ =	sdelay $0x1  }
0x8e: {  	s14 =	sld [smem:$0x3FC9]  }
0x8f: {  	s3 =	simm.s32 $0xA;
	s4 =	simm.s32 $0x10;
	s2 =	sld [smem:$0x3FC8]  }
0x90: {  	[smem:s4], [sflag:s3] =	dma.local [hbm:s0], $0x1  }
0x91: {  	_ =	swait.eq [sflag:s3], $0x1  }
0x92: {  	[sflag:s3] =	ssyncset.done $0x0  }
0x93: {  	[sflag:s3] =	ssyncadd.s32 $0xFFFFFFFF  }
0x94: {  	s15 =	sld [smem:$0x11];
	(tm) =	ssettm $0x1  }
0x95: {  	s16 =	sld [smem:$0x3FFB];
	_ =	sdelay $0x3  }
0x96: {  	_ =	strace s16  }
0x97: {  	s3 =	sld [smem:$0x3FFC];
	_ =	sdelay $0x3  }
0x98: {  	_ =	strace s3  }
0x99: {  	s3 =	sld [smem:$0x3FFD];
	_ =	sdelay $0x3  }
0x9a: {  	_ =	strace s3  }
0x9b: {  	_ =	strace $0x8FFFFFFF  }
0x9c: {  	s17 =	sld [smem:$0x3FDB];
	_ =	sdelay $0x1  }
0x9d: {  	s18 =	simm.s32 $_scs_section_size  }
0x9e: {  	s5 =	simm.s32 $_size__tile_overlayer_lowered;
	s6 =	simm.s32 $_tile_overlayer_lowered  }
0x9f: {  	s21 =	simm.s32 $0x1BFF;
	s20 =	sshll.u32 s6, $0x1;
	s3 =	sadd.s32 s18, s17  }
0xa0: {  	s7 =	simm.s32 $0x0;
	s19 =	sshll.u32 s5, $0x1;
	s5 =	sadd.s32 s20, s3  }
0xa1: {  	[timem:s7], [sflag:s21] =	dma.local [hbm:s5], s19  }
0xa2: {  	_ =	swait.ge [sflag:s21], s19  }
0xa3: {  	s4 =	ssub.s32 $0x0, s19;
	[sflag:s21] =	ssyncset.done $0x0  }
0xa4: {  	[sflag:s21] =	ssyncadd.s32 s4;
	_ =	sdelay $0x1  }
0xa5: {  	s22 =	simm.s32 $0x1B8B  }
0xa6: {  	_ =	swait.ge [sflag:s22], $0x1  }
0xa7: {  	[sflag:s22] =	ssyncset.done $0x0  }
0xa8: {  	s23 =	simm.s32 $0x1B8E;
	[sflag:s22] =	ssyncadd.s32 $0xFFFFFFFF  }
0xa9: {  	s24 =	simm.s32 $execute0_lowered;
	[smem:$0x3FD2] =	sst s23  }
0xaa: {  	s4 =	sshll.u32 s24, $0x1;
	_ =	strace $0x80000046;
	[dreg:$0x1] =	wrdreg $0xFFFFFFFF  }
0xab: {  	s25 =	simm.s32 $_size_execute0_lowered;
	s3 =	sadd.s32 s3, s4;
	[dreg:$0x0] =	wrdreg $0x0  }
0xac: {  	s4 =	sshll.u32 s25, $0x1;
	[dreg:$0x2] =	wrdreg s3  }
0xad: {  	[dreg:$0x3] =	wrdreg s4  }
0xae: {  	[dreg:$0x4] =	wrdreg $0xC0  }
0xaf: {  	_ =	task [dreg:s7], $0x5FFFF  }
0xb0: {  	[dreg:$0x1] =	wrdreg $0xFFFFFFFF  }
0xb1: {  	[dreg:$0x0] =	wrdreg $0x60  }
0xb2: {  	[dreg:$0x2] =	wrdreg s14  }
0xb3: {  	[dreg:$0x3] =	wrdreg s2  }
0xb4: {  	[dreg:$0x4] =	wrdreg s15  }
0xb5: {  	[dreg:$0x5] =	wrdreg $0xA2800  }
0xb6: {  	[dreg:$0x6] =	wrdreg $0x9  }
0xb7: {  	_ =	task.clear_ibuf [dreg:s7], $0x7FFFF;
	_ =	strace $0x90000046  }
0xb8: {  	s26 =	simm.s32 $0x9;
	_ =	strace $0x80000048  }
0xb9: {  	_ =	swait.ge [sflag:s26], $0x1  }
0xba: {  	[sflag:s26] =	ssyncadd.s32 $0xFFFFFFFF  }
0xbb: {  	_ =	strace $0x90000048  }
0xbc: {  	_ =	sfence  }
0xbd: {  	s28 =	sld [smem:$0x0];
	_ =	sdelay $0x1  }
0xbe: {  	s29 =	srdreg.scid  }
0xbf: {  	s30 =	sshll.u32 s29, $0xD;
	s31 =	sshrl.u32 s29, $0x2  }
0xc0: {  	s1 =	sand.u32 $0x1, s29;
	s2 =	sand.u32 $0x4000, s30;
	s0 =	sadd.s32 s31, s28  }
0xc1: {  	s1 =	sor.u32 s2, s1;
	s0 =	sshll.u32 s0, $0x11  }
0xc2: {  	s0 =	sor.u32 s0, s1  }
0xc3: {  	s0 =	sadd.s32 $0x8F2B, s0  }
0xc4: {  	[sflag:s0] =	ssyncadd.remote.s32 $0x1  }
0xc5: {  	_ =	sfence.sel $0xFFFF  }
0xc6: {  	[dreg:$0x0] =	wrdreg $0xFFFFFFFF;
	(pc) =	sbr.abs _section_cstart, $3  }
0xc7: {  	[dreg:$0x1] =	wrdreg $0xFFFFFFFF  }
0xc8: {  	_ =	task.clear_ibuf [dreg:s7], $0x2FFFF;
	_ =	strace $0x9FFFFFFF  }
0xc9: {  	(tm) =	ssettm $0x7FFFFFFF  }
tec
execute0_lowered:
.L_overlay_start_1:
0x0: {  	(tag) =	ssettag $0x1  }
0x1: {  	s3 =	stileid.u32  }
0x2: {  	s6 =	rddreg [dreg:$0x0];
	p0 =	seq.s32 s3, $0xF  }
.Ltmp0:
0x3: {  	s7 =	rddreg [dreg:$0x1];
	(pc) =	sbr.rel @p0 .LBB2_6-.Ltmp0, $4  }
0x4: {  	s1 =	rddreg [dreg:$0x2]  }
0x5: {  	s2 =	rddreg [dreg:$0x3];
	s5 =	simm.s32 $0x0  }
0x6: {  	[smem:$0x7FF] =	sst s5;
	s4 =	sshll.u32 s3, $0x4  }
0x7: {  	s0 =	rddreg [dreg:$0x4];
	_ =	strace $0x80000047;
	s4 =	sadd.s32 s4, s2  }
0x8: {  	p0 =	sne.s32 s3, $0x0;
	s8 =	smul.u32 $0x9C00, s3  }
0x9: {  	s26 =	smul.u32 $0x1380, s3;
	s9 =	simm.s32 @!p0 $0x0;
	s10 =	simm.s32 @!p0 $0xA000  }
0xa: {  	[tilespmem:s10], [sflag:$0x3] =	stream.linear.gather @!p0 [hbm4b:s7+s9], $0x1, $0x38;
	[tilespmem:$0xA290] =	vst v63  }
0xb: {  	s8 =	sshrl.u32 s8, $0x3  }
0xc: {  	s7 =	sadd.s32 s6, s26;
	s28 =	sadd.s32 s6, s8  }
0xd: {  	[tilespmem:s5], [sflag:$0x1] =	stream.linear.gather [hbm4b:s7+s5], $0x4E00, $0x38;
	[tilespmem:$0xA290] =	vst v63  }
0xe: {  	s29 =	simm.s32 $0x5000;
	s30 =	simm.s32 $0x1;
	s6 =	sadd.s32 $0x9C0, s28  }
0xf: {  	[tilespmem:s29], [sflag:$0x2] =	stream.linear.gather [hbm4b:s6+s5], $0x4E00, $0x38;
	[tilespmem:$0xA290] =	vst v63  }
0x10: {  	_ =	swait.ge [sflag:s30], $0x4E00  }
0x11: {  	[sflag:s30] =	ssyncset.done $0x0  }
0x12: {  	s31 =	simm.s32 $0x0;
	[sflag:s30] =	ssyncadd.s32 $0xFFFFB200  }
0x13: {  	v0 =	vld [tilespmem:s31+$0x80]  }
0x14: {  	v1 =	vld [tilespmem:s31+$0x90]  }
0x15: {  	v3 =	vld [tilespmem:s31+$0xA0]  }
0x16: {  	v4 =	vld [tilespmem:s31+$0xB0]  }
0x17: {  	v2 =	vld [tilespmem:s31+$0xC0]  }
0x18: {  	vm0 =	vlt.u32 v0, $0x2710;
	v0 =	vld [tilespmem:s31+$0xD0]  }
0x19: {  	v5 =	vmpcnt.ones.xlane vm0;
	vm0 =	vlt.u32 v1, $0x2710;
	v1 =	vld [tilespmem:s31+$0xE0]  }
0x1a: {  	v7 =	vimm.s32 $0x0;
	s5 =	simm.s32 $0x100;
	s6 =	simm.s32 $0x800;
	v6 =	vmpcnt.ones.xlane vm0;
	vm0 =	vlt.u32 v3, $0x2710;
	v3 =	vld [tilespmem:s31+$0xF0]  }
.LBB2_2:
0x1b: {  	p0 =	sne.s32 s6, $0x13400;
	v8 =	vld [tilespmem:s5+$0x80];
	v5 =	vadd.s32 v7, v5;
	v7 =	vmpcnt.ones.xlane vm0;
	vm0 =	vlt.u32 v4, $0x2710  }
0x1c: {  	v9 =	vld [tilespmem:s5+$0x90];
	v4 =	vadd.s32 v6, v5;
	v5 =	vmpcnt.ones.xlane vm0;
	vm0 =	vlt.u32 v2, $0x2710  }
0x1d: {  	v10 =	vld [tilespmem:s5+$0xA0];
	v2 =	vadd.s32 v7, v4;
	v6 =	vmpcnt.ones.xlane vm0;
	vm0 =	vlt.u32 v0, $0x2710  }
.Ltmp1:
0x1e: {  	v4 =	vld [tilespmem:s5+$0xB0];
	v0 =	vadd.s32 v5, v2;
	v5 =	vmpcnt.ones.xlane vm0;
	vm0 =	vlt.u32 v1, $0x2710;
	(pc) =	sbr.rel @p0 .LBB2_2-.Ltmp1, $4  }
0x1f: {  	v2 =	vld [tilespmem:s5+$0xC0];
	v1 =	vadd.s32 v6, v0;
	v6 =	vmpcnt.ones.xlane vm0;
	vm0 =	vlt.u32 v3, $0x2710  }
0x20: {  	vm1 =	vlt.u32 v8, $0x2710;
	v0 =	vld [tilespmem:s5+$0xD0];
	v3 =	vadd.s32 v5, v1;
	v7 =	vmpcnt.ones.xlane vm0  }
0x21: {  	v5 =	vmpcnt.ones.xlane vm1;
	vm0 =	vlt.u32 v9, $0x2710;
	v1 =	vld [tilespmem:s5+$0xE0];
	v8 =	vadd.s32 v6, v3  }
0x22: {  	v6 =	vmpcnt.ones.xlane vm0;
	vm0 =	vlt.u32 v10, $0x2710;
	v3 =	vld [tilespmem:s5+$0xF0];
	s5 =	sshra.s32 s6, $0x2;
	s6 =	sadd.s32 $0x400, s6;
	v7 =	vadd.s32 v7, v8  }
0x23: {  	v8 =	vld [tilespmem:s5+$0x80]  }
0x24: {  	v9 =	vld [tilespmem:s5+$0x90];
	v5 =	vadd.s32 v7, v5;
	v7 =	vmpcnt.ones.xlane vm0;
	vm0 =	vlt.u32 v4, $0x2710  }
0x25: {  	v4 =	vld [tilespmem:s5+$0xA0];
	v5 =	vadd.s32 v6, v5;
	v6 =	vmpcnt.ones.xlane vm0;
	vm0 =	vlt.u32 v2, $0x2710  }
0x26: {  	v2 =	vld [tilespmem:s5+$0xB0];
	v5 =	vadd.s32 v7, v5;
	v7 =	vmpcnt.ones.xlane vm0;
	vm0 =	vlt.u32 v0, $0x2710  }
0x27: {  	v0 =	vld [tilespmem:s5+$0xC0];
	v5 =	vadd.s32 v6, v5;
	v6 =	vmpcnt.ones.xlane vm0;
	vm0 =	vlt.u32 v1, $0x2710  }
0x28: {  	v1 =	vld [tilespmem:s5+$0xD0];
	v5 =	vadd.s32 v7, v5;
	v7 =	vmpcnt.ones.xlane vm0;
	vm0 =	vlt.u32 v3, $0x2710  }
0x29: {  	s31 =	simm.s32 $0x2;
	v3 =	vld [tilespmem:s5+$0xE0];
	vm1 =	vlt.u32 v8, $0x2710;
	v5 =	vadd.s32 v6, v5;
	v6 =	vmpcnt.ones.xlane vm0  }
0x2a: {  	v8 =	vld [tilespmem:s5+$0xF0];
	vm0 =	vlt.u32 v9, $0x2710;
	_ =	swait.ge [sflag:s31], $0x4E00;
	v5 =	vadd.s32 v7, v5;
	v7 =	vmpcnt.ones.xlane vm1  }
0x2b: {  	vm1 =	vlt.u32 v4, $0x2710;
	v4 =	vmpcnt.ones.xlane vm0;
	[sflag:s31] =	ssyncset.done $0x0;
	v5 =	vadd.s32 v6, v5  }
0x2c: {  	s7 =	simm.s32 $0x0;
	vm0 =	vlt.u32 v2, $0x2710;
	v6 =	vmpcnt.ones.xlane vm1;
	[sflag:s31] =	ssyncadd.s32 $0xFFFFB200;
	v5 =	vadd.s32 v5, v7  }
0x2d: {  	v2 =	vadd.s32 v4, v5;
	v4 =	vmpcnt.ones.xlane vm0;
	vm0 =	vlt.u32 v0, $0x2710;
	v5 =	vld [tilespmem:s7+$0x5080]  }
0x2e: {  	v0 =	vadd.s32 v6, v2;
	v2 =	vmpcnt.ones.xlane vm0;
	vm0 =	vlt.u32 v1, $0x2710;
	v6 =	vld [tilespmem:s7+$0x5090]  }
0x2f: {  	v0 =	vadd.s32 v4, v0;
	v1 =	vmpcnt.ones.xlane vm0;
	vm0 =	vlt.u32 v3, $0x2710;
	v4 =	vld [tilespmem:s7+$0x50A0]  }
0x30: {  	v3 =	vld [tilespmem:s7+$0x50B0];
	v0 =	vadd.s32 v2, v0;
	v2 =	vmpcnt.ones.xlane vm0;
	vm0 =	vlt.u32 v8, $0x2710  }
0x31: {  	v0 =	vadd.s32 v1, v0;
	v7 =	vmpcnt.ones.xlane vm0;
	v1 =	vld [tilespmem:s7+$0x50C0]  }
0x32: {  	v2 =	vadd.s32 v2, v0;
	v0 =	vld [tilespmem:s7+$0x50D0];
	vm0 =	vlt.u32 v5, $0x2710  }
0x33: {  	v7 =	vadd.s32 v7, v2;
	vm1 =	vlt.u32 v6, $0x2710;
	v2 =	vld [tilespmem:s7+$0x50E0];
	v6 =	vmpcnt.ones.xlane vm0  }
0x34: {  	s6 =	simm.s32 $0x800;
	s5 =	simm.s32 $0x100;
	v5 =	vmpcnt.ones.xlane vm1;
	vm0 =	vlt.u32 v4, $0x2710;
	v4 =	vld [tilespmem:s7+$0x50F0]  }
.LBB2_4:
0x35: {  	p0 =	seq.s32 s6, $0x13400;
	v8 =	vld [tilespmem:s5+$0x5080];
	v6 =	vadd.s32 v7, v6;
	v7 =	vmpcnt.ones.xlane vm0;
	vm0 =	vlt.u32 v3, $0x2710  }
0x36: {  	v9 =	vld [tilespmem:s5+$0x5090];
	v3 =	vadd.s32 v5, v6;
	v5 =	vmpcnt.ones.xlane vm0;
	vm0 =	vlt.u32 v1, $0x2710  }
0x37: {  	v10 =	vld [tilespmem:s5+$0x50A0];
	v1 =	vadd.s32 v7, v3;
	v6 =	vmpcnt.ones.xlane vm0;
	vm0 =	vlt.u32 v0, $0x2710  }
.Ltmp2:
0x38: {  	v3 =	vld [tilespmem:s5+$0x50B0];
	v0 =	vadd.s32 v5, v1;
	v5 =	vmpcnt.ones.xlane vm0;
	vm0 =	vlt.u32 v2, $0x2710;
	(pc) =	sbr.rel @!p0 .LBB2_4-.Ltmp2, $4  }
0x39: {  	v1 =	vld [tilespmem:s5+$0x50C0];
	v2 =	vadd.s32 v6, v0;
	v7 =	vmpcnt.ones.xlane vm0;
	vm0 =	vlt.u32 v4, $0x2710  }
0x3a: {  	vm1 =	vlt.u32 v8, $0x2710;
	v0 =	vld [tilespmem:s5+$0x50D0];
	v4 =	vadd.s32 v5, v2;
	v8 =	vmpcnt.ones.xlane vm0  }
0x3b: {  	v6 =	vmpcnt.ones.xlane vm1;
	vm0 =	vlt.u32 v9, $0x2710;
	v2 =	vld [tilespmem:s5+$0x50E0];
	v7 =	vadd.s32 v7, v4  }
0x3c: {  	v5 =	vmpcnt.ones.xlane vm0;
	vm0 =	vlt.u32 v10, $0x2710;
	v4 =	vld [tilespmem:s5+$0x50F0];
	s5 =	sshra.s32 s6, $0x2;
	s6 =	sadd.s32 $0x400, s6;
	v7 =	vadd.s32 v8, v7  }
0x3d: {  	v8 =	vld [tilespmem:s5+$0x5080];
	v6 =	vadd.s32 v7, v6;
	v54 =	vmpcnt.ones.xlane vm0;
	vm4 =	vlt.u32 v3, $0x2710  }
0x3e: {  	v3 =	vld [tilespmem:s5+$0x5090];
	v5 =	vadd.s32 v5, v6;
	v55 =	vmpcnt.ones.xlane vm4;
	vm5 =	vlt.u32 v1, $0x2710  }
0x3f: {  	v1 =	vld [tilespmem:s5+$0x50A0];
	v5 =	vadd.s32 v54, v5;
	v56 =	vmpcnt.ones.xlane vm5;
	vm6 =	vlt.u32 v0, $0x2710  }
0x40: {  	v0 =	vld [tilespmem:s5+$0x50B0];
	v5 =	vadd.s32 v55, v5;
	v57 =	vmpcnt.ones.xlane vm6;
	vm7 =	vlt.u32 v2, $0x2710  }
0x41: {  	v2 =	vld [tilespmem:s5+$0x50C0];
	v5 =	vadd.s32 v56, v5;
	v58 =	vmpcnt.ones.xlane vm7;
	vm8 =	vlt.u32 v4, $0x2710  }
0x42: {  	v59 =	vld [tilespmem:s5+$0x50D0];
	vm1 =	vlt.u32 v8, $0x2710;
	v5 =	vadd.s32 v57, v5;
	v60 =	vmpcnt.ones.xlane vm8  }
0x43: {  	vm9 =	vlt.u32 v3, $0x2710;
	v3 =	vld [tilespmem:s5+$0x50E0];
	v8 =	vmpcnt.ones.xlane vm1;
	v5 =	vadd.s32 v58, v5  }
0x44: {  	v61 =	vmpcnt.ones.xlane vm9;
	vm10 =	vlt.u32 v1, $0x2710;
	v1 =	vld [tilespmem:s5+$0x50F0];
	v5 =	vadd.s32 v60, v5  }
0x45: {  	v62 =	vmpcnt.ones.xlane vm10;
	vm11 =	vlt.u32 v0, $0x2710;
	v5 =	vadd.s32 v5, v8  }
0x46: {  	v63 =	vmpcnt.ones.xlane vm11;
	vm12 =	vlt.u32 v2, $0x2710;
	v0 =	vadd.s32 v61, v5  }
0x47: {  	vm13 =	vlt.u32 v59, $0x2710;
	v2 =	vmpcnt.ones.xlane vm12;
	v0 =	vadd.s32 v62, v0  }
.Ltmp3:
0x48: {  	v4 =	vmpcnt.ones.xlane vm13;
	vm14 =	vlt.u32 v3, $0x2710;
	v0 =	vadd.s32 v63, v0;
	(pc) =	sbr.rel .LBB2_11-.Ltmp3, $4  }
0x49: {  	vm15 =	vlt.u32 v1, $0x2710;
	v0 =	vadd.s32 v2, v0;
	v2 =	vmpcnt.ones.xlane vm14  }
0x4a: {  	v1 =	vmpcnt.ones.xlane vm15;
	v0 =	vadd.s32 v4, v0  }
0x4b: {  	v0 =	vadd.s32 v2, v0  }
0x4c: {  	v0 =	vadd.s32 v1, v0  }
.LBB2_6:
0x4d: {  	s7 =	sadd.s32 $0x12480, s6  }
0x4e: {  	[tilespmem:s5], [sflag:$0x1] =	stream.linear.gather [hbm4b:s7+s5], $0x5000, $0x38;
	[tilespmem:$0xA290] =	vst v63  }
0x4f: {  	s28 =	sadd.s32 $0x12E80, s6;
	s29 =	simm.s32 $0x5000;
	s30 =	simm.s32 $0x1  }
0x50: {  	[tilespmem:s29], [sflag:$0x2] =	stream.linear.gather [hbm4b:s28+s5], $0x5000, $0x38;
	[tilespmem:$0xA290] =	vst v63  }
0x51: {  	_ =	swait.ge [sflag:s30], $0x5000  }
0x52: {  	[sflag:s30] =	ssyncset.done $0x0  }
0x53: {  	s31 =	simm.s32 $0x0;
	[sflag:s30] =	ssyncadd.s32 $0xFFFFB000  }
0x54: {  	v0 =	vld [tilespmem:s31+$0x80]  }
0x55: {  	v1 =	vld [tilespmem:s31+$0x90]  }
0x56: {  	v3 =	vld [tilespmem:s31+$0xA0]  }
0x57: {  	v4 =	vld [tilespmem:s31+$0xB0]  }
0x58: {  	v2 =	vld [tilespmem:s31+$0xC0]  }
0x59: {  	vm0 =	vlt.u32 v0, $0x2710;
	v0 =	vld [tilespmem:s31+$0xD0]  }
0x5a: {  	v5 =	vmpcnt.ones.xlane vm0;
	vm0 =	vlt.u32 v1, $0x2710;
	v1 =	vld [tilespmem:s31+$0xE0]  }
0x5b: {  	v7 =	vimm.s32 $0x0;
	s6 =	simm.s32 $0x800;
	s5 =	simm.s32 $0x100;
	v6 =	vmpcnt.ones.xlane vm0;
	vm0 =	vlt.u32 v3, $0x2710;
	v3 =	vld [tilespmem:s31+$0xF0]  }
.LBB2_7:
0x5c: {  	p0 =	sne.s32 s6, $0x13C00;
	v8 =	vld [tilespmem:s5+$0x80];
	v5 =	vadd.s32 v7, v5;
	v7 =	vmpcnt.ones.xlane vm0;
	vm0 =	vlt.u32 v4, $0x2710  }
0x5d: {  	v9 =	vld [tilespmem:s5+$0x90];
	v4 =	vadd.s32 v6, v5;
	v5 =	vmpcnt.ones.xlane vm0;
	vm0 =	vlt.u32 v2, $0x2710  }
0x5e: {  	v10 =	vld [tilespmem:s5+$0xA0];
	v2 =	vadd.s32 v7, v4;
	v6 =	vmpcnt.ones.xlane vm0;
	vm0 =	vlt.u32 v0, $0x2710  }
.Ltmp4:
0x5f: {  	v4 =	vld [tilespmem:s5+$0xB0];
	v0 =	vadd.s32 v5, v2;
	v5 =	vmpcnt.ones.xlane vm0;
	vm0 =	vlt.u32 v1, $0x2710;
	(pc) =	sbr.rel @p0 .LBB2_7-.Ltmp4, $4  }
0x60: {  	v2 =	vld [tilespmem:s5+$0xC0];
	v1 =	vadd.s32 v6, v0;
	v6 =	vmpcnt.ones.xlane vm0;
	vm0 =	vlt.u32 v3, $0x2710  }
0x61: {  	vm1 =	vlt.u32 v8, $0x2710;
	v0 =	vld [tilespmem:s5+$0xD0];
	v3 =	vadd.s32 v5, v1;
	v7 =	vmpcnt.ones.xlane vm0  }
0x62: {  	v5 =	vmpcnt.ones.xlane vm1;
	vm0 =	vlt.u32 v9, $0x2710;
	v1 =	vld [tilespmem:s5+$0xE0];
	v8 =	vadd.s32 v6, v3  }
0x63: {  	v6 =	vmpcnt.ones.xlane vm0;
	vm0 =	vlt.u32 v10, $0x2710;
	v3 =	vld [tilespmem:s5+$0xF0];
	s5 =	sshra.s32 s6, $0x2;
	s6 =	sadd.s32 $0x400, s6;
	v7 =	vadd.s32 v7, v8  }
0x64: {  	v8 =	vld [tilespmem:s5+$0x80]  }
0x65: {  	v9 =	vld [tilespmem:s5+$0x90];
	v5 =	vadd.s32 v7, v5;
	v7 =	vmpcnt.ones.xlane vm0;
	vm0 =	vlt.u32 v4, $0x2710  }
0x66: {  	v4 =	vld [tilespmem:s5+$0xA0];
	v5 =	vadd.s32 v6, v5;
	v6 =	vmpcnt.ones.xlane vm0;
	vm0 =	vlt.u32 v2, $0x2710  }
0x67: {  	v2 =	vld [tilespmem:s5+$0xB0];
	v5 =	vadd.s32 v7, v5;
	v7 =	vmpcnt.ones.xlane vm0;
	vm0 =	vlt.u32 v0, $0x2710  }
0x68: {  	v0 =	vld [tilespmem:s5+$0xC0];
	v5 =	vadd.s32 v6, v5;
	v6 =	vmpcnt.ones.xlane vm0;
	vm0 =	vlt.u32 v1, $0x2710  }
0x69: {  	v1 =	vld [tilespmem:s5+$0xD0];
	v5 =	vadd.s32 v7, v5;
	v7 =	vmpcnt.ones.xlane vm0;
	vm0 =	vlt.u32 v3, $0x2710  }
0x6a: {  	s31 =	simm.s32 $0x2;
	v3 =	vld [tilespmem:s5+$0xE0];
	vm1 =	vlt.u32 v8, $0x2710;
	v5 =	vadd.s32 v6, v5;
	v6 =	vmpcnt.ones.xlane vm0  }
0x6b: {  	v8 =	vld [tilespmem:s5+$0xF0];
	vm0 =	vlt.u32 v9, $0x2710;
	_ =	swait.ge [sflag:s31], $0x5000;
	v5 =	vadd.s32 v7, v5;
	v7 =	vmpcnt.ones.xlane vm1  }
0x6c: {  	vm1 =	vlt.u32 v4, $0x2710;
	v4 =	vmpcnt.ones.xlane vm0;
	[sflag:s31] =	ssyncset.done $0x0;
	v5 =	vadd.s32 v6, v5  }
0x6d: {  	s7 =	simm.s32 $0x0;
	vm0 =	vlt.u32 v2, $0x2710;
	v6 =	vmpcnt.ones.xlane vm1;
	[sflag:s31] =	ssyncadd.s32 $0xFFFFB000;
	v5 =	vadd.s32 v5, v7  }
0x6e: {  	v2 =	vadd.s32 v4, v5;
	v4 =	vmpcnt.ones.xlane vm0;
	vm0 =	vlt.u32 v0, $0x2710;
	v5 =	vld [tilespmem:s7+$0x5080]  }
0x6f: {  	v0 =	vadd.s32 v6, v2;
	v2 =	vmpcnt.ones.xlane vm0;
	vm0 =	vlt.u32 v1, $0x2710;
	v6 =	vld [tilespmem:s7+$0x5090]  }
0x70: {  	v0 =	vadd.s32 v4, v0;
	v1 =	vmpcnt.ones.xlane vm0;
	vm0 =	vlt.u32 v3, $0x2710;
	v4 =	vld [tilespmem:s7+$0x50A0]  }
0x71: {  	v3 =	vld [tilespmem:s7+$0x50B0];
	v0 =	vadd.s32 v2, v0;
	v2 =	vmpcnt.ones.xlane vm0;
	vm0 =	vlt.u32 v8, $0x2710  }
0x72: {  	v0 =	vadd.s32 v1, v0;
	v7 =	vmpcnt.ones.xlane vm0;
	v1 =	vld [tilespmem:s7+$0x50C0]  }
0x73: {  	v2 =	vadd.s32 v2, v0;
	v0 =	vld [tilespmem:s7+$0x50D0];
	vm0 =	vlt.u32 v5, $0x2710  }
0x74: {  	v7 =	vadd.s32 v7, v2;
	vm1 =	vlt.u32 v6, $0x2710;
	v2 =	vld [tilespmem:s7+$0x50E0];
	v6 =	vmpcnt.ones.xlane vm0  }
0x75: {  	s6 =	simm.s32 $0x800;
	s5 =	simm.s32 $0x100;
	v5 =	vmpcnt.ones.xlane vm1;
	vm0 =	vlt.u32 v4, $0x2710;
	v4 =	vld [tilespmem:s7+$0x50F0]  }
.LBB2_9:
0x76: {  	p0 =	sne.s32 s6, $0x13C00;
	v8 =	vld [tilespmem:s5+$0x5080];
	v6 =	vadd.s32 v7, v6;
	v7 =	vmpcnt.ones.xlane vm0;
	vm0 =	vlt.u32 v3, $0x2710  }
0x77: {  	v9 =	vld [tilespmem:s5+$0x5090];
	v3 =	vadd.s32 v5, v6;
	v5 =	vmpcnt.ones.xlane vm0;
	vm0 =	vlt.u32 v1, $0x2710  }
0x78: {  	v10 =	vld [tilespmem:s5+$0x50A0];
	v1 =	vadd.s32 v7, v3;
	v6 =	vmpcnt.ones.xlane vm0;
	vm0 =	vlt.u32 v0, $0x2710  }
.Ltmp5:
0x79: {  	v3 =	vld [tilespmem:s5+$0x50B0];
	v0 =	vadd.s32 v5, v1;
	v5 =	vmpcnt.ones.xlane vm0;
	vm0 =	vlt.u32 v2, $0x2710;
	(pc) =	sbr.rel @p0 .LBB2_9-.Ltmp5, $4  }
0x7a: {  	v1 =	vld [tilespmem:s5+$0x50C0];
	v2 =	vadd.s32 v6, v0;
	v7 =	vmpcnt.ones.xlane vm0;
	vm0 =	vlt.u32 v4, $0x2710  }
0x7b: {  	vm1 =	vlt.u32 v8, $0x2710;
	v0 =	vld [tilespmem:s5+$0x50D0];
	v4 =	vadd.s32 v5, v2;
	v8 =	vmpcnt.ones.xlane vm0  }
0x7c: {  	v6 =	vmpcnt.ones.xlane vm1;
	vm0 =	vlt.u32 v9, $0x2710;
	v2 =	vld [tilespmem:s5+$0x50E0];
	v7 =	vadd.s32 v7, v4  }
0x7d: {  	v5 =	vmpcnt.ones.xlane vm0;
	vm0 =	vlt.u32 v10, $0x2710;
	v4 =	vld [tilespmem:s5+$0x50F0];
	s5 =	sshra.s32 s6, $0x2;
	s6 =	sadd.s32 $0x400, s6;
	v7 =	vadd.s32 v8, v7  }
0x7e: {  	v8 =	vld [tilespmem:s5+$0x5080];
	v6 =	vadd.s32 v7, v6;
	v54 =	vmpcnt.ones.xlane vm0;
	vm4 =	vlt.u32 v3, $0x2710  }
0x7f: {  	v3 =	vld [tilespmem:s5+$0x5090];
	v5 =	vadd.s32 v5, v6;
	v55 =	vmpcnt.ones.xlane vm4;
	vm5 =	vlt.u32 v1, $0x2710  }
0x80: {  	v1 =	vld [tilespmem:s5+$0x50A0];
	v5 =	vadd.s32 v54, v5;
	v56 =	vmpcnt.ones.xlane vm5;
	vm6 =	vlt.u32 v0, $0x2710  }
0x81: {  	v0 =	vld [tilespmem:s5+$0x50B0];
	v5 =	vadd.s32 v55, v5;
	v57 =	vmpcnt.ones.xlane vm6;
	vm7 =	vlt.u32 v2, $0x2710  }
0x82: {  	v2 =	vld [tilespmem:s5+$0x50C0];
	v5 =	vadd.s32 v56, v5;
	v58 =	vmpcnt.ones.xlane vm7;
	vm8 =	vlt.u32 v4, $0x2710  }
0x83: {  	v59 =	vld [tilespmem:s5+$0x50D0];
	vm1 =	vlt.u32 v8, $0x2710;
	v5 =	vadd.s32 v57, v5;
	v60 =	vmpcnt.ones.xlane vm8  }
0x84: {  	vm9 =	vlt.u32 v3, $0x2710;
	v3 =	vld [tilespmem:s5+$0x50E0];
	v8 =	vmpcnt.ones.xlane vm1;
	v5 =	vadd.s32 v58, v5  }
0x85: {  	v61 =	vmpcnt.ones.xlane vm9;
	vm10 =	vlt.u32 v1, $0x2710;
	v1 =	vld [tilespmem:s5+$0x50F0];
	v5 =	vadd.s32 v60, v5  }
0x86: {  	v62 =	vmpcnt.ones.xlane vm10;
	vm11 =	vlt.u32 v0, $0x2710;
	v5 =	vadd.s32 v5, v8  }
0x87: {  	v63 =	vmpcnt.ones.xlane vm11;
	vm12 =	vlt.u32 v2, $0x2710;
	v0 =	vadd.s32 v61, v5  }
0x88: {  	vm13 =	vlt.u32 v59, $0x2710;
	v2 =	vmpcnt.ones.xlane vm12;
	v0 =	vadd.s32 v62, v0  }
0x89: {  	v4 =	vmpcnt.ones.xlane vm13;
	vm14 =	vlt.u32 v3, $0x2710;
	v0 =	vadd.s32 v63, v0  }
0x8a: {  	vm15 =	vlt.u32 v1, $0x2710;
	v0 =	vadd.s32 v2, v0;
	v2 =	vmpcnt.ones.xlane vm14  }
0x8b: {  	v1 =	vmpcnt.ones.xlane vm15;
	v0 =	vadd.s32 v4, v0  }
0x8c: {  	v0 =	vadd.s32 v2, v0  }
0x8d: {  	v0 =	vadd.s32 v1, v0  }
.LBB2_11:
0x8e: {  	[tilespmem:$0xA080] =	vst v0;
	s5 =	simm.s32 $0xA080  }
0x8f: {  	[spmem:s4] =	stream.linear.scatter [tilespmem:s5], [sflag:$0x4], $0x10, $0x38;
	[tilespmem:$0xA290] =	vst v63  }
0x90: {  	s4 =	simm.s32 $0x4  }
0x91: {  	_ =	swait.ge [sflag:s4], $0x10  }
0x92: {  	[sflag:s4] =	ssyncset.done $0x0  }
0x93: {  	[sflag:s4] =	ssyncadd.s32 $0xFFFFFFF0  }
0x94: {  	p0 =	sne.s32 s3, $0x0;
	[bflag:$0x0] =	sbarrier.arrive $0xFFFF  }
0x95: {  	_ =	sfence.sel @p0 $0x180000  }
0x96: {  	[bflag:$0x0] =	sbarrier.arrive @p0 $0xFFFF  }
0x97: {  	_ =	strace @p0 $0x90000047  }
0x98: {  	[bflag:$0x2] =	sbarrier.arrive @p0 $0xFFFF  }
0x99: {  	_ =	shalt @p0  }
.LBB2_12:
0x9a: {  	s3 =	simm.s32 $0xA180  }
0x9b: {  	[tilespmem:s3], [sflag:$0x4] =	stream.linear.gather [spmem:s2], $0x100, $0x38;
	[tilespmem:$0xA290] =	vst v63  }
0x9c: {  	_ =	swait.ge [sflag:s4], $0x100  }
0x9d: {  	[sflag:s4] =	ssyncset.done $0x0  }
0x9e: {  	[sflag:s4] =	ssyncadd.s32 $0xFFFFFF00  }
0x9f: {  	v0 =	vld [tilespmem:$0xA180]  }
0xa0: {  	v1 =	vld [tilespmem:$0xA190]  }
0xa1: {  	v2 =	vld [tilespmem:$0xA1A0]  }
0xa2: {  	v3 =	vld [tilespmem:$0xA1B0]  }
0xa3: {  	v4 =	vld [tilespmem:$0xA1C0]  }
0xa4: {  	v5 =	vld [tilespmem:$0xA1D0]  }
0xa5: {  	v6 =	vld [tilespmem:$0xA1E0]  }
0xa6: {  	v7 =	vld [tilespmem:$0xA1F0]  }
0xa7: {  	v8 =	vld [tilespmem:$0xA200]  }
0xa8: {  	v9 =	vld [tilespmem:$0xA210]  }
0xa9: {  	v10 =	vld [tilespmem:$0xA220]  }
0xaa: {  	v11 =	vld [tilespmem:$0xA230]  }
0xab: {  	v12 =	vld [tilespmem:$0xA240]  }
0xac: {  	v13 =	vld [tilespmem:$0xA250]  }
0xad: {  	s29 =	simm.s32 $0x3;
	v14 =	vld [tilespmem:$0xA260]  }
0xae: {  	v15 =	vld [tilespmem:$0xA270];
	_ =	swait.ge [sflag:s29], $0x1  }
0xaf: {  	[sflag:s29] =	ssyncset.done $0x0  }
0xb0: {  	[sflag:s29] =	ssyncadd.s32 $0xFFFFFFFF  }
0xb1: {  	v16 =	vld [tilespmem:$0xA000];
	_ =	sdelay $0x4  }
0xb2: {  	v16 =	vsub.f32 $0.0e+00, v16;
	_ =	sdelay $0x1  }
0xb3: {  	v16 =	vmul.f32 $1.442695020e+00, v16;
	_ =	sdelay $0x1  }
0xb4: {  	(erf) = vpow2.f32 v16;
	_ =	sdelay $0x3  }
0xb5: {  	v0 =	vadd.s32 v0, v1  }
0xb6: {  	v0 =	vadd.s32 v2, v0  }
0xb7: {  	v0 =	vadd.s32 v3, v0  }
0xb8: {  	v0 =	vadd.s32 v4, v0  }
0xb9: {  	v0 =	vadd.s32 v5, v0  }
0xba: {  	v0 =	vadd.s32 v6, v0;
	v63 =	vpop (erf)  }
0xbb: {  	v0 =	vadd.s32 v7, v0;
	v1 =	vadd.f32 $1.000000000e+00, v63  }
0xbc: {  	v0 =	vadd.s32 v8, v0  }
0xbd: {  	v0 =	vadd.s32 v9, v0;
	(erf) = vrcp.f32 v1  }
0xbe: {  	v0 =	vadd.s32 v10, v0  }
0xbf: {  	v0 =	vadd.s32 v11, v0  }
0xc0: {  	v0 =	vadd.s32 v12, v0  }
0xc1: {  	v0 =	vadd.s32 v13, v0  }
0xc2: {  	v0 =	vadd.s32 v14, v0  }
0xc3: {  	v0 =	vadd.s32 v15, v0  }
0xc4: {  	v0 =	vcvt.s32.f32 v0;
	_ =	sdelay $0x1  }
0xc5: {  	vm0 =	vmmov $0x1;
	v0 =	vmul.f32 $4.999999870e-05, v0;
	v1 =	vpop (erf)  }
0xc6: {  	vm15 =	vcmask $0x2328;
	v1 =	vnsel vm0, $0x0, v1  }
0xc7: {  	v0 =	vsel vm15, v1, v0  }
0xc8: {  	s30 =	simm.s32 $0x0;
	s31 =	simm.s32 $0xA100;
	[tilespmem:$0xA100] =	vst v0  }
0xc9: {  	[hbm4b:s1+s30] =	stream.linear.scatter [tilespmem:s31], [sflag:$0x4], $0x80, $0x38;
	[tilespmem:$0xA290] =	vst v63  }
0xca: {  	_ =	swait.ge [sflag:s4], $0x80  }
0xcb: {  	[sflag:s4] =	ssyncset.done $0x0  }
0xcc: {  	[sflag:s4] =	ssyncadd.s32 $0xFFFFFF80  }
0xcd: {  	_ =	sfence.sel $0x180000  }
0xce: {  	[bflag:$0x0] =	sbarrier.arrive $0xFFFF  }
0xcf: {  	_ =	strace $0x90000047  }
0xd0: {  	s0 =	sadd.s32 $0x100000, s0;
	[bflag:$0x2] =	sbarrier.arrive $0xFFFF  }
0xd1: {  	[sflag:s0] =	ssyncadd.tile.s32 $0x1;
	_ =	shalt  }
.Lfunc_end2:
_tile_overlayer_lowered:
.L_overlay_start_2:
0xd2: {  	(tag) =	ssettag $0x2  }
0xd3: {  	s0 =	rddreg [dreg:$0x0];
	s2 =	stileid.u32  }
0xd4: {  	s1 =	rddreg [dreg:$0x1];
	p0 =	sne.s32 s2, $0x0  }
0xd5: {  	s3 =	rddreg [dreg:$0x2];
	[bflag:$0x3] =	sbarrier.arrive $0xFFFF;
	s2 =	simm.s32 @!p0 $0x1C04  }
0xd6: {  	[timem:s3], [sflag:s2] =	dma.local @!p0 [hbm:s0], s1  }
0xd7: {  	s0 =	simm.s32 @!p0 $0x4  }
0xd8: {  	_ =	swait.ge @!p0 [sflag:s0], s1  }
0xd9: {  	s1 =	ssub.s32 @!p0 $0x0, s1;
	[sflag:s0] =	ssyncset.done @!p0 $0x0  }
0xda: {  	[sflag:s0] =	ssyncadd.s32 @!p0 s1  }
0xdb: {  	[bflag:$0x3] =	sbarrier.arrive $0xFFFF  }
0xdc: {  	_ =	shalt  }

</sc_bundles>
